<compile_context>
chip_gen: v7x
topology: tpu7x:2x2x1
jax: 0.10.2.dev20260603
libtpu: 0.0.44.dev20260713+nightly
codegen_flags: <defaults>
</compile_context>

<pallas_src>
import functools

import jax
import jax.numpy as jnp
from jax import lax
from jax.experimental import pallas as pl
from jax.experimental.pallas import tpu as pltpu
from jax.experimental.pallas import tpu_sc as plsc

_NC = 2
_NS = 16
_NW = _NC * _NS
_CHUNK = 128
_NBUF = 5


def _gather_body(n_blocks, seq, bsz, emb_dim, idx_hbm, table_hbm, out_hbm,
                 idx_v, rows_v, isem, gsems, osems):
  wid = lax.axis_index("s") * _NC + lax.axis_index("c")
  nb_per_l = bsz // _CHUNK
  b0 = wid * n_blocks

  def stage(j, carry):
    bid = b0 + j
    l = bid // nb_per_l
    c = bid % nb_per_l
    pltpu.make_async_copy(
        idx_hbm.at[l, pl.ds(c * _CHUNK, _CHUNK)], idx_v.at[j], isem).start()
    return carry

  lax.fori_loop(0, n_blocks, stage, 0, unroll=False)

  def drain(j, carry):
    pltpu.make_async_copy(
        idx_hbm.at[0, pl.ds(0, _CHUNK)], idx_v.at[j], isem).wait()
    return carry

  lax.fori_loop(0, n_blocks, drain, 0, unroll=False)

  def gather_copy(b, j):
    return pltpu.make_async_copy(table_hbm.at[idx_v.at[j]], rows_v.at[b],
                                 gsems[b])

  def out_copy(b, j):
    bid = b0 + j
    l = bid // nb_per_l
    c = bid % nb_per_l
    return pltpu.make_async_copy(
        rows_v.at[b], out_hbm.at[l, pl.ds(c * _CHUNK, _CHUNK)], osems[b])

  for b in range(_NBUF):
    gather_copy(b, b).start()

  n_steady = n_blocks // _NBUF - 1

  def body(i, carry):
    k = i * _NBUF
    for b in range(_NBUF):
      gather_copy(b, k + b).wait()
      out_copy(b, k + b).start()
    for b in range(_NBUF):
      out_copy(b, k + b).wait()
      gather_copy(b, k + b + _NBUF).start()
    return carry

  lax.fori_loop(0, n_steady, body, 0, unroll=False)

  k = n_steady * _NBUF
  for b in range(_NBUF):
    gather_copy(b, k + b).wait()
    out_copy(b, k + b).start()
  for b in range(_NBUF):
    out_copy(b, k + b).wait()


@functools.partial(jax.jit, static_argnames=("seq", "bsz", "emb_dim"))
def _sc_gather(idx, table, *, seq, bsz, emb_dim):
  mesh = plsc.VectorSubcoreMesh(
      core_axis_name="c", subcore_axis_name="s",
      num_cores=_NC, num_subcores=_NS)
  n_blocks = seq * bsz // (_NW * _CHUNK)
  run = pl.kernel(
      functools.partial(_gather_body, n_blocks, seq, bsz, emb_dim),
      out_type=jax.ShapeDtypeStruct((seq, bsz, emb_dim), jnp.float32),
      mesh=mesh,
      scratch_types=[
          pltpu.VMEM((n_blocks, _CHUNK), jnp.int32),
          pltpu.VMEM((_NBUF, _CHUNK, emb_dim), jnp.float32),
          pltpu.SemaphoreType.DMA,
          [pltpu.SemaphoreType.DMA] * _NBUF,
          [pltpu.SemaphoreType.DMA] * _NBUF,
      ],
      compiler_params=pltpu.CompilerParams(use_tc_tiling_on_sc=False),
  )
  return run(idx, table)


def kernel(indices, table):
  bsz, seq = indices.shape
  vocab, emb_dim = table.shape
  idx_t = indices.T.astype(jnp.int32)
  out_t = _sc_gather(idx_t, table, seq=seq, bsz=bsz, emb_dim=emb_dim)
  return out_t.transpose(1, 0, 2)

# --- scband reference (transcript-rebuilt; emitter-appended) ---
"""Pipeline reference for scband-static-embedding-11295763988498 (READ-ONLY COPY).

The authoritative reference and input builder live on the scoring server;
editing this copy changes nothing except your own understanding.
"""

import jax, jax.numpy as jnp
import numpy as np

VOCAB = 1000000
EMB_DIM = 32
BATCH = 4096
SEQ_LEN = 50

def setup_inputs(seed: int = 0) -> dict:
    key = jax.random.key(seed)
    k_idx, k_tab = jax.random.split(key)
    indices = jax.random.randint(k_idx, (BATCH, SEQ_LEN), 0, VOCAB, dtype=jnp.int64 if jax.config.jax_enable_x64 else jnp.int32)
    table = jax.random.normal(k_tab, (VOCAB, EMB_DIM), dtype=jnp.float32)
    return {"indices": indices, "table": table}

def reference(indices, table):
    # Faithful translation of StaticEmbedding.forward: for each batch row,
    # look up pretrained vectors for each token id and place them into a
    # dense [bsz, max_seq_len, dim_emb] tensor. With uniform-length batches
    # this is a pure gather from the vector table.
    embed = jnp.take(table, indices, axis=0)  # [B, L, D]
    return embed

if __name__ == "__main__":
    import jax
    _d = setup_inputs()
    print(jax.jit(kernel)(*tuple(_d.values())))

</pallas_src>

<mosaic_0001>
#map = affine_map<(d0, d1) -> (0, 0)>
#map1 = affine_map<(d0, d1) -> (0, 0, 0)>
module attributes {stable_mosaic.version = 14 : i64} {
  func.func @_gather_body(%arg0: i32, %arg1: i32, %arg2: memref<50x4096xi32, #tpu.memory_space<hbm>>, %arg3: memref<1000000x32xf32, #tpu.memory_space<hbm>>, %arg4: memref<50x4096x32xf32, #tpu.memory_space<hbm>>, %arg5: memref<50x128xi32, #tpu.memory_space<vmem>>, %arg6: memref<5x128x32xf32, #tpu.memory_space<vmem>>, %arg7: memref<!tpu.dma_semaphore, #tpu.memory_space<semaphore_mem>>, %arg8: memref<!tpu.dma_semaphore, #tpu.memory_space<semaphore_mem>>, %arg9: memref<!tpu.dma_semaphore, #tpu.memory_space<semaphore_mem>>, %arg10: memref<!tpu.dma_semaphore, #tpu.memory_space<semaphore_mem>>, %arg11: memref<!tpu.dma_semaphore, #tpu.memory_space<semaphore_mem>>, %arg12: memref<!tpu.dma_semaphore, #tpu.memory_space<semaphore_mem>>, %arg13: memref<!tpu.dma_semaphore, #tpu.memory_space<semaphore_mem>>, %arg14: memref<!tpu.dma_semaphore, #tpu.memory_space<semaphore_mem>>, %arg15: memref<!tpu.dma_semaphore, #tpu.memory_space<semaphore_mem>>, %arg16: memref<!tpu.dma_semaphore, #tpu.memory_space<semaphore_mem>>, %arg17: memref<!tpu.dma_semaphore, #tpu.memory_space<semaphore_mem>>) attributes {dimension_semantics = [#tpu.dimension_semantics<core_parallel>, #tpu.dimension_semantics<subcore_parallel>], iteration_bounds = array<i64: 2, 16>, scalar_prefetch = 0 : i64, scratch_operands = 13 : i64, tpu.core_type = #tpu.core_type<sc_vector_subcore>, window_params = [{transform_indices = #map}, {transform_indices = #map}, {transform_indices = #map1}]} {
    %mul3A = arith.constant 2 : i32
    %mul3A_0 = arith.muli %arg1, %mul3A : i32
    %add3A = arith.addi %mul3A_0, %arg0 : i32
    %mul3A_1 = arith.constant 50 : i32
    %mul3A_2 = arith.muli %add3A, %mul3A_1 : i32
    %scan3A = arith.constant 0 : i32
    %scan3A_3 = arith.constant 0 : i32
    %scan3A_4 = arith.constant 50 : i32
    %scan3A_5 = arith.addi %scan3A_3, %scan3A_4 : i32
    %scan3A_6 = arith.constant 1 : i32
    scf.for %scan3A_718 = %scan3A_3 to %scan3A_5 step %scan3A_6  : i32 {
      %add3A_719 = arith.addi %mul3A_2, %scan3A_718 : i32
      %jit3A_720 = arith.constant 32 : i32
      %div3A_721 = arith.divsi %add3A_719, %jit3A_720 : i32
      %sign3A_722 = arith.constant 0 : i32
      %sign3A_723 = arith.cmpi sgt, %add3A_719, %sign3A_722 : i32
      %sign3A_724 = arith.extui %sign3A_723 : i1 to i32
      %sign3A_725 = arith.constant 0 : i32
      %sign3A_726 = arith.cmpi slt, %add3A_719, %sign3A_725 : i32
      %sign3A_727 = arith.extui %sign3A_726 : i1 to i32
      %sign3A_728 = arith.subi %sign3A_724, %sign3A_727 : i32
      %sign3A_729 = arith.constant 0 : i32
      %sign3A_730 = arith.cmpi sgt, %jit3A_720, %sign3A_729 : i32
      %sign3A_731 = arith.extui %sign3A_730 : i1 to i32
      %sign3A_732 = arith.constant 0 : i32
      %sign3A_733 = arith.cmpi slt, %jit3A_720, %sign3A_732 : i32
      %sign3A_734 = arith.extui %sign3A_733 : i1 to i32
      %sign3A_735 = arith.subi %sign3A_731, %sign3A_734 : i32
      %ne3A_736 = arith.cmpi ne, %sign3A_728, %sign3A_735 : i32
      %rem3A_737 = arith.remsi %add3A_719, %jit3A_720 : i32
      %ne3A_738 = arith.constant 0 : i32
      %ne3A_739 = arith.cmpi ne, %rem3A_737, %ne3A_738 : i32
      %and3A_740 = arith.andi %ne3A_736, %ne3A_739 : i1
      %sub3A_741 = arith.constant 1 : i32
      %sub3A_742 = arith.subi %div3A_721, %sub3A_741 : i32
      %select_n3A_743 = arith.select %and3A_740, %sub3A_742, %div3A_721 : i32
      %jit3A_744 = arith.constant 32 : i32
      %eq3A_745 = arith.constant 0 : i32
      %eq3A_746 = arith.cmpi eq, %jit3A_744, %eq3A_745 : i32
      %jit3A_747 = arith.constant 1 : i32
      %select_n3A_748 = arith.select %eq3A_746, %jit3A_747, %jit3A_744 : i32
      %rem3A_749 = arith.remsi %add3A_719, %select_n3A_748 : i32
      %ne3A_750 = arith.constant 0 : i32
      %ne3A_751 = arith.cmpi ne, %rem3A_749, %ne3A_750 : i32
      %lt3A_752 = arith.constant 0 : i32
      %lt3A_753 = arith.cmpi slt, %rem3A_749, %lt3A_752 : i32
      %lt3A_754 = arith.constant 0 : i32
      %lt3A_755 = arith.cmpi slt, %select_n3A_748, %lt3A_754 : i32
      %ne3A_756 = arith.xori %lt3A_753, %lt3A_755 : i1
      %and3A_757 = arith.andi %ne3A_756, %ne3A_751 : i1
      %add3A_758 = arith.addi %rem3A_749, %select_n3A_748 : i32
      %select_n3A_759 = arith.select %and3A_757, %add3A_758, %rem3A_749 : i32
      %mul3A_760 = arith.constant 128 : i32
      %mul3A_761 = arith.muli %select_n3A_759, %mul3A_760 : i32
      %dma_start3A_762 = arith.constant 0 : i32
      %dma_start3A_763 = tpu.memref_slice %arg5[%scan3A_718, %dma_start3A_762] : memref<50x128xi32, #tpu.memory_space<vmem>> -> memref<1x128xi32, #tpu.memory_space<vmem>>
      %dma_start3A_764 = tpu.memref_squeeze %dma_start3A_763 : memref<1x128xi32, #tpu.memory_space<vmem>> -> memref<128xi32, #tpu.memory_space<vmem>>
      %dma_start3A_765 = tpu.memref_slice %arg2[%select_n3A_743, %mul3A_761] : memref<50x4096xi32, #tpu.memory_space<hbm>> -> memref<1x128xi32, #tpu.memory_space<hbm>>
      %dma_start3A_766 = tpu.memref_squeeze %dma_start3A_765 : memref<1x128xi32, #tpu.memory_space<hbm>> -> memref<128xi32, #tpu.memory_space<hbm>>
      %dma_start3A_767 = arith.constant 0 : i32
      %dma_start3A_768 = tpu.memref_slice %arg5[%scan3A_718, %dma_start3A_767] : memref<50x128xi32, #tpu.memory_space<vmem>> -> memref<1x128xi32, #tpu.memory_space<vmem>>
      %dma_start3A_769 = tpu.memref_squeeze %dma_start3A_768 : memref<1x128xi32, #tpu.memory_space<vmem>> -> memref<128xi32, #tpu.memory_space<vmem>>
      %dma_start3A_770 = tpu.memref_slice %arg2[%select_n3A_743, %mul3A_761] : memref<50x4096xi32, #tpu.memory_space<hbm>> -> memref<1x128xi32, #tpu.memory_space<hbm>>
      %dma_start3A_771 = tpu.memref_squeeze %dma_start3A_770 : memref<1x128xi32, #tpu.memory_space<hbm>> -> memref<128xi32, #tpu.memory_space<hbm>>
      tpu.enqueue_dma source(%dma_start3A_771 : memref<128xi32, #tpu.memory_space<hbm>>) target(%dma_start3A_769 : memref<128xi32, #tpu.memory_space<vmem>>) target_semaphore(%arg7 : memref<!tpu.dma_semaphore, #tpu.memory_space<semaphore_mem>>)
    }
    %scan3A_7 = arith.constant 50 : i32
    %scan3A_8 = arith.constant 0 : i32
    %scan3A_9 = arith.constant 0 : i32
    %scan3A_10 = arith.constant 50 : i32
    %scan3A_11 = arith.addi %scan3A_9, %scan3A_10 : i32
    %scan3A_12 = arith.constant 1 : i32
    scf.for %scan3A_718 = %scan3A_9 to %scan3A_11 step %scan3A_12  : i32 {
      %dma_wait3A_719 = arith.constant 0 : i32
      %dma_wait3A_720 = arith.constant 0 : i32
      %dma_wait3A_721 = tpu.memref_slice %arg5[%scan3A_718, %dma_wait3A_720] : memref<50x128xi32, #tpu.memory_space<vmem>> -> memref<1x128xi32, #tpu.memory_space<vmem>>
      %dma_wait3A_722 = tpu.memref_squeeze %dma_wait3A_721 : memref<1x128xi32, #tpu.memory_space<vmem>> -> memref<128xi32, #tpu.memory_space<vmem>>
      %dma_wait3A_723 = arith.constant 0 : i32
      %dma_wait3A_724 = tpu.memref_slice %arg2[%dma_wait3A_719, %dma_wait3A_723] : memref<50x4096xi32, #tpu.memory_space<hbm>> -> memref<1x128xi32, #tpu.memory_space<hbm>>
      %dma_wait3A_725 = tpu.memref_squeeze %dma_wait3A_724 : memref<1x128xi32, #tpu.memory_space<hbm>> -> memref<128xi32, #tpu.memory_space<hbm>>
      %dma_wait3A_726 = arith.constant 0 : i32
      %dma_wait3A_727 = tpu.memref_slice %arg5[%scan3A_718, %dma_wait3A_726] : memref<50x128xi32, #tpu.memory_space<vmem>> -> memref<1x128xi32, #tpu.memory_space<vmem>>
      %dma_wait3A_728 = tpu.memref_squeeze %dma_wait3A_727 : memref<1x128xi32, #tpu.memory_space<vmem>> -> memref<128xi32, #tpu.memory_space<vmem>>
      %dma_wait3A_729 = arith.constant 0 : i32
      %dma_wait3A_730 = tpu.memref_slice %arg2[%dma_wait3A_719, %dma_wait3A_729] : memref<50x4096xi32, #tpu.memory_space<hbm>> -> memref<1x128xi32, #tpu.memory_space<hbm>>
      %dma_wait3A_731 = tpu.memref_squeeze %dma_wait3A_730 : memref<1x128xi32, #tpu.memory_space<hbm>> -> memref<128xi32, #tpu.memory_space<hbm>>
      tpu.wait_dma2 semaphore(%arg7 : memref<!tpu.dma_semaphore, #tpu.memory_space<semaphore_mem>>) src(%dma_wait3A_731 : memref<128xi32, #tpu.memory_space<hbm>>) dst(%dma_wait3A_728 : memref<128xi32, #tpu.memory_space<vmem>>)
    }
    %scan3A_13 = arith.constant 50 : i32
    %dma_start3A = arith.constant 0 : i32
    %dma_start3A_14 = arith.constant 0 : i32
    %dma_start3A_15 = arith.constant 0 : i32
    %dma_start3A_16 = arith.constant 0 : i32
    %dma_start3A_17 = tpu.memref_slice %arg6[%dma_start3A_14, %dma_start3A_15, %dma_start3A_16] : memref<5x128x32xf32, #tpu.memory_space<vmem>> -> memref<1x128x32xf32, #tpu.memory_space<vmem>>
    %dma_start3A_18 = tpu.memref_squeeze %dma_start3A_17 : memref<1x128x32xf32, #tpu.memory_space<vmem>> -> memref<128x32xf32, #tpu.memory_space<vmem>>
    %dma_start3A_19 = arith.constant 0 : i32
    %dma_start3A_20 = tpu.memref_slice %arg5[%dma_start3A, %dma_start3A_19] : memref<50x128xi32, #tpu.memory_space<vmem>> -> memref<1x128xi32, #tpu.memory_space<vmem>>
    %dma_start3A_21 = tpu.memref_squeeze %dma_start3A_20 : memref<1x128xi32, #tpu.memory_space<vmem>> -> memref<128xi32, #tpu.memory_space<vmem>>
    %dma_start3A_22 = arith.constant 0 : i32
    %dma_start3A_23 = arith.constant 0 : i32
    %dma_start3A_24 = tpu.memref_slice %arg3[%dma_start3A_22, %dma_start3A_23] : memref<1000000x32xf32, #tpu.memory_space<hbm>> -> memref<1000000x32xf32, #tpu.memory_space<hbm>>
    tpu.enqueue_indirect_dma source(%dma_start3A_24 : memref<1000000x32xf32, #tpu.memory_space<hbm>>) target(%dma_start3A_18 : memref<128x32xf32, #tpu.memory_space<vmem>>) offsets(%dma_start3A_21 : memref<128xi32, #tpu.memory_space<vmem>>) semaphore(%arg8 : memref<!tpu.dma_semaphore, #tpu.memory_space<semaphore_mem>>)
    %dma_start3A_25 = arith.constant 1 : i32
    %dma_start3A_26 = arith.constant 1 : i32
    %dma_start3A_27 = arith.constant 0 : i32
    %dma_start3A_28 = arith.constant 0 : i32
    %dma_start3A_29 = tpu.memref_slice %arg6[%dma_start3A_26, %dma_start3A_27, %dma_start3A_28] : memref<5x128x32xf32, #tpu.memory_space<vmem>> -> memref<1x128x32xf32, #tpu.memory_space<vmem>>
    %dma_start3A_30 = tpu.memref_squeeze %dma_start3A_29 : memref<1x128x32xf32, #tpu.memory_space<vmem>> -> memref<128x32xf32, #tpu.memory_space<vmem>>
    %dma_start3A_31 = arith.constant 0 : i32
    %dma_start3A_32 = tpu.memref_slice %arg5[%dma_start3A_25, %dma_start3A_31] : memref<50x128xi32, #tpu.memory_space<vmem>> -> memref<1x128xi32, #tpu.memory_space<vmem>>
    %dma_start3A_33 = tpu.memref_squeeze %dma_start3A_32 : memref<1x128xi32, #tpu.memory_space<vmem>> -> memref<128xi32, #tpu.memory_space<vmem>>
    %dma_start3A_34 = arith.constant 0 : i32
    %dma_start3A_35 = arith.constant 0 : i32
    %dma_start3A_36 = tpu.memref_slice %arg3[%dma_start3A_34, %dma_start3A_35] : memref<1000000x32xf32, #tpu.memory_space<hbm>> -> memref<1000000x32xf32, #tpu.memory_space<hbm>>
    tpu.enqueue_indirect_dma source(%dma_start3A_36 : memref<1000000x32xf32, #tpu.memory_space<hbm>>) target(%dma_start3A_30 : memref<128x32xf32, #tpu.memory_space<vmem>>) offsets(%dma_start3A_33 : memref<128xi32, #tpu.memory_space<vmem>>) semaphore(%arg9 : memref<!tpu.dma_semaphore, #tpu.memory_space<semaphore_mem>>)
    %dma_start3A_37 = arith.constant 2 : i32
    %dma_start3A_38 = arith.constant 2 : i32
    %dma_start3A_39 = arith.constant 0 : i32
    %dma_start3A_40 = arith.constant 0 : i32
    %dma_start3A_41 = tpu.memref_slice %arg6[%dma_start3A_38, %dma_start3A_39, %dma_start3A_40] : memref<5x128x32xf32, #tpu.memory_space<vmem>> -> memref<1x128x32xf32, #tpu.memory_space<vmem>>
    %dma_start3A_42 = tpu.memref_squeeze %dma_start3A_41 : memref<1x128x32xf32, #tpu.memory_space<vmem>> -> memref<128x32xf32, #tpu.memory_space<vmem>>
    %dma_start3A_43 = arith.constant 0 : i32
    %dma_start3A_44 = tpu.memref_slice %arg5[%dma_start3A_37, %dma_start3A_43] : memref<50x128xi32, #tpu.memory_space<vmem>> -> memref<1x128xi32, #tpu.memory_space<vmem>>
    %dma_start3A_45 = tpu.memref_squeeze %dma_start3A_44 : memref<1x128xi32, #tpu.memory_space<vmem>> -> memref<128xi32, #tpu.memory_space<vmem>>
    %dma_start3A_46 = arith.constant 0 : i32
    %dma_start3A_47 = arith.constant 0 : i32
    %dma_start3A_48 = tpu.memref_slice %arg3[%dma_start3A_46, %dma_start3A_47] : memref<1000000x32xf32, #tpu.memory_space<hbm>> -> memref<1000000x32xf32, #tpu.memory_space<hbm>>
    tpu.enqueue_indirect_dma source(%dma_start3A_48 : memref<1000000x32xf32, #tpu.memory_space<hbm>>) target(%dma_start3A_42 : memref<128x32xf32, #tpu.memory_space<vmem>>) offsets(%dma_start3A_45 : memref<128xi32, #tpu.memory_space<vmem>>) semaphore(%arg10 : memref<!tpu.dma_semaphore, #tpu.memory_space<semaphore_mem>>)
    %dma_start3A_49 = arith.constant 3 : i32
    %dma_start3A_50 = arith.constant 3 : i32
    %dma_start3A_51 = arith.constant 0 : i32
    %dma_start3A_52 = arith.constant 0 : i32
    %dma_start3A_53 = tpu.memref_slice %arg6[%dma_start3A_50, %dma_start3A_51, %dma_start3A_52] : memref<5x128x32xf32, #tpu.memory_space<vmem>> -> memref<1x128x32xf32, #tpu.memory_space<vmem>>
    %dma_start3A_54 = tpu.memref_squeeze %dma_start3A_53 : memref<1x128x32xf32, #tpu.memory_space<vmem>> -> memref<128x32xf32, #tpu.memory_space<vmem>>
    %dma_start3A_55 = arith.constant 0 : i32
    %dma_start3A_56 = tpu.memref_slice %arg5[%dma_start3A_49, %dma_start3A_55] : memref<50x128xi32, #tpu.memory_space<vmem>> -> memref<1x128xi32, #tpu.memory_space<vmem>>
    %dma_start3A_57 = tpu.memref_squeeze %dma_start3A_56 : memref<1x128xi32, #tpu.memory_space<vmem>> -> memref<128xi32, #tpu.memory_space<vmem>>
    %dma_start3A_58 = arith.constant 0 : i32
    %dma_start3A_59 = arith.constant 0 : i32
    %dma_start3A_60 = tpu.memref_slice %arg3[%dma_start3A_58, %dma_start3A_59] : memref<1000000x32xf32, #tpu.memory_space<hbm>> -> memref<1000000x32xf32, #tpu.memory_space<hbm>>
    tpu.enqueue_indirect_dma source(%dma_start3A_60 : memref<1000000x32xf32, #tpu.memory_space<hbm>>) target(%dma_start3A_54 : memref<128x32xf32, #tpu.memory_space<vmem>>) offsets(%dma_start3A_57 : memref<128xi32, #tpu.memory_space<vmem>>) semaphore(%arg11 : memref<!tpu.dma_semaphore, #tpu.memory_space<semaphore_mem>>)
    %dma_start3A_61 = arith.constant 4 : i32
    %dma_start3A_62 = arith.constant 4 : i32
    %dma_start3A_63 = arith.constant 0 : i32
    %dma_start3A_64 = arith.constant 0 : i32
    %dma_start3A_65 = tpu.memref_slice %arg6[%dma_start3A_62, %dma_start3A_63, %dma_start3A_64] : memref<5x128x32xf32, #tpu.memory_space<vmem>> -> memref<1x128x32xf32, #tpu.memory_space<vmem>>
    %dma_start3A_66 = tpu.memref_squeeze %dma_start3A_65 : memref<1x128x32xf32, #tpu.memory_space<vmem>> -> memref<128x32xf32, #tpu.memory_space<vmem>>
    %dma_start3A_67 = arith.constant 0 : i32
    %dma_start3A_68 = tpu.memref_slice %arg5[%dma_start3A_61, %dma_start3A_67] : memref<50x128xi32, #tpu.memory_space<vmem>> -> memref<1x128xi32, #tpu.memory_space<vmem>>
    %dma_start3A_69 = tpu.memref_squeeze %dma_start3A_68 : memref<1x128xi32, #tpu.memory_space<vmem>> -> memref<128xi32, #tpu.memory_space<vmem>>
    %dma_start3A_70 = arith.constant 0 : i32
    %dma_start3A_71 = arith.constant 0 : i32
    %dma_start3A_72 = tpu.memref_slice %arg3[%dma_start3A_70, %dma_start3A_71] : memref<1000000x32xf32, #tpu.memory_space<hbm>> -> memref<1000000x32xf32, #tpu.memory_space<hbm>>
    tpu.enqueue_indirect_dma source(%dma_start3A_72 : memref<1000000x32xf32, #tpu.memory_space<hbm>>) target(%dma_start3A_66 : memref<128x32xf32, #tpu.memory_space<vmem>>) offsets(%dma_start3A_69 : memref<128xi32, #tpu.memory_space<vmem>>) semaphore(%arg12 : memref<!tpu.dma_semaphore, #tpu.memory_space<semaphore_mem>>)
    %scan3A_73 = arith.constant 0 : i32
    %scan3A_74 = arith.constant 0 : i32
    %scan3A_75 = arith.constant 9 : i32
    %scan3A_76 = arith.addi %scan3A_74, %scan3A_75 : i32
    %scan3A_77 = arith.constant 1 : i32
    scf.for %scan3A_718 = %scan3A_74 to %scan3A_76 step %scan3A_77  : i32 {
      %mul3A_719 = arith.constant 5 : i32
      %mul3A_720 = arith.muli %scan3A_718, %mul3A_719 : i32
      %add3A_721 = arith.constant 0 : i32
      %add3A_722 = arith.addi %mul3A_720, %add3A_721 : i32
      %dma_wait3A_723 = arith.constant 0 : i32
      %dma_wait3A_724 = arith.constant 0 : i32
      %dma_wait3A_725 = arith.constant 0 : i32
      %dma_wait3A_726 = tpu.memref_slice %arg6[%dma_wait3A_723, %dma_wait3A_724, %dma_wait3A_725] : memref<5x128x32xf32, #tpu.memory_space<vmem>> -> memref<1x128x32xf32, #tpu.memory_space<vmem>>
      %dma_wait3A_727 = tpu.memref_squeeze %dma_wait3A_726 : memref<1x128x32xf32, #tpu.memory_space<vmem>> -> memref<128x32xf32, #tpu.memory_space<vmem>>
      %dma_wait3A_728 = arith.constant 0 : i32
      %dma_wait3A_729 = tpu.memref_slice %arg5[%add3A_722, %dma_wait3A_728] : memref<50x128xi32, #tpu.memory_space<vmem>> -> memref<1x128xi32, #tpu.memory_space<vmem>>
      %dma_wait3A_730 = tpu.memref_squeeze %dma_wait3A_729 : memref<1x128xi32, #tpu.memory_space<vmem>> -> memref<128xi32, #tpu.memory_space<vmem>>
      %dma_wait3A_731 = arith.constant 0 : i32
      %dma_wait3A_732 = arith.constant 0 : i32
      %dma_wait3A_733 = tpu.memref_slice %arg3[%dma_wait3A_731, %dma_wait3A_732] : memref<1000000x32xf32, #tpu.memory_space<hbm>> -> memref<1000000x32xf32, #tpu.memory_space<hbm>>
      tpu.wait_indirect_dma semaphore(%arg8 : memref<!tpu.dma_semaphore, #tpu.memory_space<semaphore_mem>>) src(%dma_wait3A_733 : memref<1000000x32xf32, #tpu.memory_space<hbm>>) dst(%dma_wait3A_727 : memref<128x32xf32, #tpu.memory_space<vmem>>)
      %add3A_734 = arith.constant 0 : i32
      %add3A_735 = arith.addi %mul3A_720, %add3A_734 : i32
      %add3A_736 = arith.addi %mul3A_2, %add3A_735 : i32
      %jit3A_737 = arith.constant 32 : i32
      %div3A_738 = arith.divsi %add3A_736, %jit3A_737 : i32
      %sign3A_739 = arith.constant 0 : i32
      %sign3A_740 = arith.cmpi sgt, %add3A_736, %sign3A_739 : i32
      %sign3A_741 = arith.extui %sign3A_740 : i1 to i32
      %sign3A_742 = arith.constant 0 : i32
      %sign3A_743 = arith.cmpi slt, %add3A_736, %sign3A_742 : i32
      %sign3A_744 = arith.extui %sign3A_743 : i1 to i32
      %sign3A_745 = arith.subi %sign3A_741, %sign3A_744 : i32
      %sign3A_746 = arith.constant 0 : i32
      %sign3A_747 = arith.cmpi sgt, %jit3A_737, %sign3A_746 : i32
      %sign3A_748 = arith.extui %sign3A_747 : i1 to i32
      %sign3A_749 = arith.constant 0 : i32
      %sign3A_750 = arith.cmpi slt, %jit3A_737, %sign3A_749 : i32
      %sign3A_751 = arith.extui %sign3A_750 : i1 to i32
      %sign3A_752 = arith.subi %sign3A_748, %sign3A_751 : i32
      %ne3A_753 = arith.cmpi ne, %sign3A_745, %sign3A_752 : i32
      %rem3A_754 = arith.remsi %add3A_736, %jit3A_737 : i32
      %ne3A_755 = arith.constant 0 : i32
      %ne3A_756 = arith.cmpi ne, %rem3A_754, %ne3A_755 : i32
      %and3A_757 = arith.andi %ne3A_753, %ne3A_756 : i1
      %sub3A_758 = arith.constant 1 : i32
      %sub3A_759 = arith.subi %div3A_738, %sub3A_758 : i32
      %select_n3A_760 = arith.select %and3A_757, %sub3A_759, %div3A_738 : i32
      %jit3A_761 = arith.constant 32 : i32
      %eq3A_762 = arith.constant 0 : i32
      %eq3A_763 = arith.cmpi eq, %jit3A_761, %eq3A_762 : i32
      %jit3A_764 = arith.constant 1 : i32
      %select_n3A_765 = arith.select %eq3A_763, %jit3A_764, %jit3A_761 : i32
      %rem3A_766 = arith.remsi %add3A_736, %select_n3A_765 : i32
      %ne3A_767 = arith.constant 0 : i32
      %ne3A_768 = arith.cmpi ne, %rem3A_766, %ne3A_767 : i32
      %lt3A_769 = arith.constant 0 : i32
      %lt3A_770 = arith.cmpi slt, %rem3A_766, %lt3A_769 : i32
      %lt3A_771 = arith.constant 0 : i32
      %lt3A_772 = arith.cmpi slt, %select_n3A_765, %lt3A_771 : i32
      %ne3A_773 = arith.xori %lt3A_770, %lt3A_772 : i1
      %and3A_774 = arith.andi %ne3A_773, %ne3A_768 : i1
      %add3A_775 = arith.addi %rem3A_766, %select_n3A_765 : i32
      %select_n3A_776 = arith.select %and3A_774, %add3A_775, %rem3A_766 : i32
      %mul3A_777 = arith.constant 128 : i32
      %mul3A_778 = arith.muli %select_n3A_776, %mul3A_777 : i32
      %dma_start3A_779 = arith.constant 0 : i32
      %dma_start3A_780 = arith.constant 0 : i32
      %dma_start3A_781 = arith.constant 0 : i32
      %dma_start3A_782 = tpu.memref_slice %arg6[%dma_start3A_779, %dma_start3A_780, %dma_start3A_781] : memref<5x128x32xf32, #tpu.memory_space<vmem>> -> memref<1x128x32xf32, #tpu.memory_space<vmem>>
      %dma_start3A_783 = tpu.memref_squeeze %dma_start3A_782 : memref<1x128x32xf32, #tpu.memory_space<vmem>> -> memref<128x32xf32, #tpu.memory_space<vmem>>
      %dma_start3A_784 = arith.constant 0 : i32
      %dma_start3A_785 = tpu.memref_slice %arg4[%select_n3A_760, %mul3A_778, %dma_start3A_784] : memref<50x4096x32xf32, #tpu.memory_space<hbm>> -> memref<1x128x32xf32, #tpu.memory_space<hbm>>
      %dma_start3A_786 = tpu.memref_squeeze %dma_start3A_785 : memref<1x128x32xf32, #tpu.memory_space<hbm>> -> memref<128x32xf32, #tpu.memory_space<hbm>>
      %dma_start3A_787 = arith.constant 0 : i32
      %dma_start3A_788 = tpu.memref_slice %arg4[%select_n3A_760, %mul3A_778, %dma_start3A_787] : memref<50x4096x32xf32, #tpu.memory_space<hbm>> -> memref<1x128x32xf32, #tpu.memory_space<hbm>>
      %dma_start3A_789 = tpu.memref_squeeze %dma_start3A_788 : memref<1x128x32xf32, #tpu.memory_space<hbm>> -> memref<128x32xf32, #tpu.memory_space<hbm>>
      %dma_start3A_790 = arith.constant 0 : i32
      %dma_start3A_791 = arith.constant 0 : i32
      %dma_start3A_792 = tpu.memref_slice %arg6[%dma_start3A_779, %dma_start3A_790, %dma_start3A_791] : memref<5x128x32xf32, #tpu.memory_space<vmem>> -> memref<1x128x32xf32, #tpu.memory_space<vmem>>
      %dma_start3A_793 = tpu.memref_squeeze %dma_start3A_792 : memref<1x128x32xf32, #tpu.memory_space<vmem>> -> memref<128x32xf32, #tpu.memory_space<vmem>>
      tpu.enqueue_dma source(%dma_start3A_793 : memref<128x32xf32, #tpu.memory_space<vmem>>) target(%dma_start3A_789 : memref<128x32xf32, #tpu.memory_space<hbm>>) target_semaphore(%arg13 : memref<!tpu.dma_semaphore, #tpu.memory_space<semaphore_mem>>)
      %add3A_794 = arith.constant 1 : i32
      %add3A_795 = arith.addi %mul3A_720, %add3A_794 : i32
      %dma_wait3A_796 = arith.constant 1 : i32
      %dma_wait3A_797 = arith.constant 0 : i32
      %dma_wait3A_798 = arith.constant 0 : i32
      %dma_wait3A_799 = tpu.memref_slice %arg6[%dma_wait3A_796, %dma_wait3A_797, %dma_wait3A_798] : memref<5x128x32xf32, #tpu.memory_space<vmem>> -> memref<1x128x32xf32, #tpu.memory_space<vmem>>
      %dma_wait3A_800 = tpu.memref_squeeze %dma_wait3A_799 : memref<1x128x32xf32, #tpu.memory_space<vmem>> -> memref<128x32xf32, #tpu.memory_space<vmem>>
      %dma_wait3A_801 = arith.constant 0 : i32
      %dma_wait3A_802 = tpu.memref_slice %arg5[%add3A_795, %dma_wait3A_801] : memref<50x128xi32, #tpu.memory_space<vmem>> -> memref<1x128xi32, #tpu.memory_space<vmem>>
      %dma_wait3A_803 = tpu.memref_squeeze %dma_wait3A_802 : memref<1x128xi32, #tpu.memory_space<vmem>> -> memref<128xi32, #tpu.memory_space<vmem>>
      %dma_wait3A_804 = arith.constant 0 : i32
      %dma_wait3A_805 = arith.constant 0 : i32
      %dma_wait3A_806 = tpu.memref_slice %arg3[%dma_wait3A_804, %dma_wait3A_805] : memref<1000000x32xf32, #tpu.memory_space<hbm>> -> memref<1000000x32xf32, #tpu.memory_space<hbm>>
      tpu.wait_indirect_dma semaphore(%arg9 : memref<!tpu.dma_semaphore, #tpu.memory_space<semaphore_mem>>) src(%dma_wait3A_806 : memref<1000000x32xf32, #tpu.memory_space<hbm>>) dst(%dma_wait3A_800 : memref<128x32xf32, #tpu.memory_space<vmem>>)
      %add3A_807 = arith.constant 1 : i32
      %add3A_808 = arith.addi %mul3A_720, %add3A_807 : i32
      %add3A_809 = arith.addi %mul3A_2, %add3A_808 : i32
      %jit3A_810 = arith.constant 32 : i32
      %div3A_811 = arith.divsi %add3A_809, %jit3A_810 : i32
      %sign3A_812 = arith.constant 0 : i32
      %sign3A_813 = arith.cmpi sgt, %add3A_809, %sign3A_812 : i32
      %sign3A_814 = arith.extui %sign3A_813 : i1 to i32
      %sign3A_815 = arith.constant 0 : i32
      %sign3A_816 = arith.cmpi slt, %add3A_809, %sign3A_815 : i32
      %sign3A_817 = arith.extui %sign3A_816 : i1 to i32
      %sign3A_818 = arith.subi %sign3A_814, %sign3A_817 : i32
      %sign3A_819 = arith.constant 0 : i32
      %sign3A_820 = arith.cmpi sgt, %jit3A_810, %sign3A_819 : i32
      %sign3A_821 = arith.extui %sign3A_820 : i1 to i32
      %sign3A_822 = arith.constant 0 : i32
      %sign3A_823 = arith.cmpi slt, %jit3A_810, %sign3A_822 : i32
      %sign3A_824 = arith.extui %sign3A_823 : i1 to i32
      %sign3A_825 = arith.subi %sign3A_821, %sign3A_824 : i32
      %ne3A_826 = arith.cmpi ne, %sign3A_818, %sign3A_825 : i32
      %rem3A_827 = arith.remsi %add3A_809, %jit3A_810 : i32
      %ne3A_828 = arith.constant 0 : i32
      %ne3A_829 = arith.cmpi ne, %rem3A_827, %ne3A_828 : i32
      %and3A_830 = arith.andi %ne3A_826, %ne3A_829 : i1
      %sub3A_831 = arith.constant 1 : i32
      %sub3A_832 = arith.subi %div3A_811, %sub3A_831 : i32
      %select_n3A_833 = arith.select %and3A_830, %sub3A_832, %div3A_811 : i32
      %jit3A_834 = arith.constant 32 : i32
      %eq3A_835 = arith.constant 0 : i32
      %eq3A_836 = arith.cmpi eq, %jit3A_834, %eq3A_835 : i32
      %jit3A_837 = arith.constant 1 : i32
      %select_n3A_838 = arith.select %eq3A_836, %jit3A_837, %jit3A_834 : i32
      %rem3A_839 = arith.remsi %add3A_809, %select_n3A_838 : i32
      %ne3A_840 = arith.constant 0 : i32
      %ne3A_841 = arith.cmpi ne, %rem3A_839, %ne3A_840 : i32
      %lt3A_842 = arith.constant 0 : i32
      %lt3A_843 = arith.cmpi slt, %rem3A_839, %lt3A_842 : i32
      %lt3A_844 = arith.constant 0 : i32
      %lt3A_845 = arith.cmpi slt, %select_n3A_838, %lt3A_844 : i32
      %ne3A_846 = arith.xori %lt3A_843, %lt3A_845 : i1
      %and3A_847 = arith.andi %ne3A_846, %ne3A_841 : i1
      %add3A_848 = arith.addi %rem3A_839, %select_n3A_838 : i32
      %select_n3A_849 = arith.select %and3A_847, %add3A_848, %rem3A_839 : i32
      %mul3A_850 = arith.constant 128 : i32
      %mul3A_851 = arith.muli %select_n3A_849, %mul3A_850 : i32
      %dma_start3A_852 = arith.constant 1 : i32
      %dma_start3A_853 = arith.constant 0 : i32
      %dma_start3A_854 = arith.constant 0 : i32
      %dma_start3A_855 = tpu.memref_slice %arg6[%dma_start3A_852, %dma_start3A_853, %dma_start3A_854] : memref<5x128x32xf32, #tpu.memory_space<vmem>> -> memref<1x128x32xf32, #tpu.memory_space<vmem>>
      %dma_start3A_856 = tpu.memref_squeeze %dma_start3A_855 : memref<1x128x32xf32, #tpu.memory_space<vmem>> -> memref<128x32xf32, #tpu.memory_space<vmem>>
      %dma_start3A_857 = arith.constant 0 : i32
      %dma_start3A_858 = tpu.memref_slice %arg4[%select_n3A_833, %mul3A_851, %dma_start3A_857] : memref<50x4096x32xf32, #tpu.memory_space<hbm>> -> memref<1x128x32xf32, #tpu.memory_space<hbm>>
      %dma_start3A_859 = tpu.memref_squeeze %dma_start3A_858 : memref<1x128x32xf32, #tpu.memory_space<hbm>> -> memref<128x32xf32, #tpu.memory_space<hbm>>
      %dma_start3A_860 = arith.constant 0 : i32
      %dma_start3A_861 = tpu.memref_slice %arg4[%select_n3A_833, %mul3A_851, %dma_start3A_860] : memref<50x4096x32xf32, #tpu.memory_space<hbm>> -> memref<1x128x32xf32, #tpu.memory_space<hbm>>
      %dma_start3A_862 = tpu.memref_squeeze %dma_start3A_861 : memref<1x128x32xf32, #tpu.memory_space<hbm>> -> memref<128x32xf32, #tpu.memory_space<hbm>>
      %dma_start3A_863 = arith.constant 0 : i32
      %dma_start3A_864 = arith.constant 0 : i32
      %dma_start3A_865 = tpu.memref_slice %arg6[%dma_start3A_852, %dma_start3A_863, %dma_start3A_864] : memref<5x128x32xf32, #tpu.memory_space<vmem>> -> memref<1x128x32xf32, #tpu.memory_space<vmem>>
      %dma_start3A_866 = tpu.memref_squeeze %dma_start3A_865 : memref<1x128x32xf32, #tpu.memory_space<vmem>> -> memref<128x32xf32, #tpu.memory_space<vmem>>
      tpu.enqueue_dma source(%dma_start3A_866 : memref<128x32xf32, #tpu.memory_space<vmem>>) target(%dma_start3A_862 : memref<128x32xf32, #tpu.memory_space<hbm>>) target_semaphore(%arg14 : memref<!tpu.dma_semaphore, #tpu.memory_space<semaphore_mem>>)
      %add3A_867 = arith.constant 2 : i32
      %add3A_868 = arith.addi %mul3A_720, %add3A_867 : i32
      %dma_wait3A_869 = arith.constant 2 : i32
      %dma_wait3A_870 = arith.constant 0 : i32
      %dma_wait3A_871 = arith.constant 0 : i32
      %dma_wait3A_872 = tpu.memref_slice %arg6[%dma_wait3A_869, %dma_wait3A_870, %dma_wait3A_871] : memref<5x128x32xf32, #tpu.memory_space<vmem>> -> memref<1x128x32xf32, #tpu.memory_space<vmem>>
      %dma_wait3A_873 = tpu.memref_squeeze %dma_wait3A_872 : memref<1x128x32xf32, #tpu.memory_space<vmem>> -> memref<128x32xf32, #tpu.memory_space<vmem>>
      %dma_wait3A_874 = arith.constant 0 : i32
      %dma_wait3A_875 = tpu.memref_slice %arg5[%add3A_868, %dma_wait3A_874] : memref<50x128xi32, #tpu.memory_space<vmem>> -> memref<1x128xi32, #tpu.memory_space<vmem>>
      %dma_wait3A_876 = tpu.memref_squeeze %dma_wait3A_875 : memref<1x128xi32, #tpu.memory_space<vmem>> -> memref<128xi32, #tpu.memory_space<vmem>>
      %dma_wait3A_877 = arith.constant 0 : i32
      %dma_wait3A_878 = arith.constant 0 : i32
      %dma_wait3A_879 = tpu.memref_slice %arg3[%dma_wait3A_877, %dma_wait3A_878] : memref<1000000x32xf32, #tpu.memory_space<hbm>> -> memref<1000000x32xf32, #tpu.memory_space<hbm>>
      tpu.wait_indirect_dma semaphore(%arg10 : memref<!tpu.dma_semaphore, #tpu.memory_space<semaphore_mem>>) src(%dma_wait3A_879 : memref<1000000x32xf32, #tpu.memory_space<hbm>>) dst(%dma_wait3A_873 : memref<128x32xf32, #tpu.memory_space<vmem>>)
      %add3A_880 = arith.constant 2 : i32
      %add3A_881 = arith.addi %mul3A_720, %add3A_880 : i32
      %add3A_882 = arith.addi %mul3A_2, %add3A_881 : i32
      %jit3A_883 = arith.constant 32 : i32
      %div3A_884 = arith.divsi %add3A_882, %jit3A_883 : i32
      %sign3A_885 = arith.constant 0 : i32
      %sign3A_886 = arith.cmpi sgt, %add3A_882, %sign3A_885 : i32
      %sign3A_887 = arith.extui %sign3A_886 : i1 to i32
      %sign3A_888 = arith.constant 0 : i32
      %sign3A_889 = arith.cmpi slt, %add3A_882, %sign3A_888 : i32
      %sign3A_890 = arith.extui %sign3A_889 : i1 to i32
      %sign3A_891 = arith.subi %sign3A_887, %sign3A_890 : i32
      %sign3A_892 = arith.constant 0 : i32
      %sign3A_893 = arith.cmpi sgt, %jit3A_883, %sign3A_892 : i32
      %sign3A_894 = arith.extui %sign3A_893 : i1 to i32
      %sign3A_895 = arith.constant 0 : i32
      %sign3A_896 = arith.cmpi slt, %jit3A_883, %sign3A_895 : i32
      %sign3A_897 = arith.extui %sign3A_896 : i1 to i32
      %sign3A_898 = arith.subi %sign3A_894, %sign3A_897 : i32
      %ne3A_899 = arith.cmpi ne, %sign3A_891, %sign3A_898 : i32
      %rem3A_900 = arith.remsi %add3A_882, %jit3A_883 : i32
      %ne3A_901 = arith.constant 0 : i32
      %ne3A_902 = arith.cmpi ne, %rem3A_900, %ne3A_901 : i32
      %and3A_903 = arith.andi %ne3A_899, %ne3A_902 : i1
      %sub3A_904 = arith.constant 1 : i32
      %sub3A_905 = arith.subi %div3A_884, %sub3A_904 : i32
      %select_n3A_906 = arith.select %and3A_903, %sub3A_905, %div3A_884 : i32
      %jit3A_907 = arith.constant 32 : i32
      %eq3A_908 = arith.constant 0 : i32
      %eq3A_909 = arith.cmpi eq, %jit3A_907, %eq3A_908 : i32
      %jit3A_910 = arith.constant 1 : i32
      %select_n3A_911 = arith.select %eq3A_909, %jit3A_910, %jit3A_907 : i32
      %rem3A_912 = arith.remsi %add3A_882, %select_n3A_911 : i32
      %ne3A_913 = arith.constant 0 : i32
      %ne3A_914 = arith.cmpi ne, %rem3A_912, %ne3A_913 : i32
      %lt3A_915 = arith.constant 0 : i32
      %lt3A_916 = arith.cmpi slt, %rem3A_912, %lt3A_915 : i32
      %lt3A_917 = arith.constant 0 : i32
      %lt3A_918 = arith.cmpi slt, %select_n3A_911, %lt3A_917 : i32
      %ne3A_919 = arith.xori %lt3A_916, %lt3A_918 : i1
      %and3A_920 = arith.andi %ne3A_919, %ne3A_914 : i1
      %add3A_921 = arith.addi %rem3A_912, %select_n3A_911 : i32
      %select_n3A_922 = arith.select %and3A_920, %add3A_921, %rem3A_912 : i32
      %mul3A_923 = arith.constant 128 : i32
      %mul3A_924 = arith.muli %select_n3A_922, %mul3A_923 : i32
      %dma_start3A_925 = arith.constant 2 : i32
      %dma_start3A_926 = arith.constant 0 : i32
      %dma_start3A_927 = arith.constant 0 : i32
      %dma_start3A_928 = tpu.memref_slice %arg6[%dma_start3A_925, %dma_start3A_926, %dma_start3A_927] : memref<5x128x32xf32, #tpu.memory_space<vmem>> -> memref<1x128x32xf32, #tpu.memory_space<vmem>>
      %dma_start3A_929 = tpu.memref_squeeze %dma_start3A_928 : memref<1x128x32xf32, #tpu.memory_space<vmem>> -> memref<128x32xf32, #tpu.memory_space<vmem>>
      %dma_start3A_930 = arith.constant 0 : i32
      %dma_start3A_931 = tpu.memref_slice %arg4[%select_n3A_906, %mul3A_924, %dma_start3A_930] : memref<50x4096x32xf32, #tpu.memory_space<hbm>> -> memref<1x128x32xf32, #tpu.memory_space<hbm>>
      %dma_start3A_932 = tpu.memref_squeeze %dma_start3A_931 : memref<1x128x32xf32, #tpu.memory_space<hbm>> -> memref<128x32xf32, #tpu.memory_space<hbm>>
      %dma_start3A_933 = arith.constant 0 : i32
      %dma_start3A_934 = tpu.memref_slice %arg4[%select_n3A_906, %mul3A_924, %dma_start3A_933] : memref<50x4096x32xf32, #tpu.memory_space<hbm>> -> memref<1x128x32xf32, #tpu.memory_space<hbm>>
      %dma_start3A_935 = tpu.memref_squeeze %dma_start3A_934 : memref<1x128x32xf32, #tpu.memory_space<hbm>> -> memref<128x32xf32, #tpu.memory_space<hbm>>
      %dma_start3A_936 = arith.constant 0 : i32
      %dma_start3A_937 = arith.constant 0 : i32
      %dma_start3A_938 = tpu.memref_slice %arg6[%dma_start3A_925, %dma_start3A_936, %dma_start3A_937] : memref<5x128x32xf32, #tpu.memory_space<vmem>> -> memref<1x128x32xf32, #tpu.memory_space<vmem>>
      %dma_start3A_939 = tpu.memref_squeeze %dma_start3A_938 : memref<1x128x32xf32, #tpu.memory_space<vmem>> -> memref<128x32xf32, #tpu.memory_space<vmem>>
      tpu.enqueue_dma source(%dma_start3A_939 : memref<128x32xf32, #tpu.memory_space<vmem>>) target(%dma_start3A_935 : memref<128x32xf32, #tpu.memory_space<hbm>>) target_semaphore(%arg15 : memref<!tpu.dma_semaphore, #tpu.memory_space<semaphore_mem>>)
      %add3A_940 = arith.constant 3 : i32
      %add3A_941 = arith.addi %mul3A_720, %add3A_940 : i32
      %dma_wait3A_942 = arith.constant 3 : i32
      %dma_wait3A_943 = arith.constant 0 : i32
      %dma_wait3A_944 = arith.constant 0 : i32
      %dma_wait3A_945 = tpu.memref_slice %arg6[%dma_wait3A_942, %dma_wait3A_943, %dma_wait3A_944] : memref<5x128x32xf32, #tpu.memory_space<vmem>> -> memref<1x128x32xf32, #tpu.memory_space<vmem>>
      %dma_wait3A_946 = tpu.memref_squeeze %dma_wait3A_945 : memref<1x128x32xf32, #tpu.memory_space<vmem>> -> memref<128x32xf32, #tpu.memory_space<vmem>>
      %dma_wait3A_947 = arith.constant 0 : i32
      %dma_wait3A_948 = tpu.memref_slice %arg5[%add3A_941, %dma_wait3A_947] : memref<50x128xi32, #tpu.memory_space<vmem>> -> memref<1x128xi32, #tpu.memory_space<vmem>>
      %dma_wait3A_949 = tpu.memref_squeeze %dma_wait3A_948 : memref<1x128xi32, #tpu.memory_space<vmem>> -> memref<128xi32, #tpu.memory_space<vmem>>
      %dma_wait3A_950 = arith.constant 0 : i32
      %dma_wait3A_951 = arith.constant 0 : i32
      %dma_wait3A_952 = tpu.memref_slice %arg3[%dma_wait3A_950, %dma_wait3A_951] : memref<1000000x32xf32, #tpu.memory_space<hbm>> -> memref<1000000x32xf32, #tpu.memory_space<hbm>>
      tpu.wait_indirect_dma semaphore(%arg11 : memref<!tpu.dma_semaphore, #tpu.memory_space<semaphore_mem>>) src(%dma_wait3A_952 : memref<1000000x32xf32, #tpu.memory_space<hbm>>) dst(%dma_wait3A_946 : memref<128x32xf32, #tpu.memory_space<vmem>>)
      %add3A_953 = arith.constant 3 : i32
      %add3A_954 = arith.addi %mul3A_720, %add3A_953 : i32
      %add3A_955 = arith.addi %mul3A_2, %add3A_954 : i32
      %jit3A_956 = arith.constant 32 : i32
      %div3A_957 = arith.divsi %add3A_955, %jit3A_956 : i32
      %sign3A_958 = arith.constant 0 : i32
      %sign3A_959 = arith.cmpi sgt, %add3A_955, %sign3A_958 : i32
      %sign3A_960 = arith.extui %sign3A_959 : i1 to i32
      %sign3A_961 = arith.constant 0 : i32
      %sign3A_962 = arith.cmpi slt, %add3A_955, %sign3A_961 : i32
      %sign3A_963 = arith.extui %sign3A_962 : i1 to i32
      %sign3A_964 = arith.subi %sign3A_960, %sign3A_963 : i32
      %sign3A_965 = arith.constant 0 : i32
      %sign3A_966 = arith.cmpi sgt, %jit3A_956, %sign3A_965 : i32
      %sign3A_967 = arith.extui %sign3A_966 : i1 to i32
      %sign3A_968 = arith.constant 0 : i32
      %sign3A_969 = arith.cmpi slt, %jit3A_956, %sign3A_968 : i32
      %sign3A_970 = arith.extui %sign3A_969 : i1 to i32
      %sign3A_971 = arith.subi %sign3A_967, %sign3A_970 : i32
      %ne3A_972 = arith.cmpi ne, %sign3A_964, %sign3A_971 : i32
      %rem3A_973 = arith.remsi %add3A_955, %jit3A_956 : i32
      %ne3A_974 = arith.constant 0 : i32
      %ne3A_975 = arith.cmpi ne, %rem3A_973, %ne3A_974 : i32
      %and3A_976 = arith.andi %ne3A_972, %ne3A_975 : i1
      %sub3A_977 = arith.constant 1 : i32
      %sub3A_978 = arith.subi %div3A_957, %sub3A_977 : i32
      %select_n3A_979 = arith.select %and3A_976, %sub3A_978, %div3A_957 : i32
      %jit3A_980 = arith.constant 32 : i32
      %eq3A_981 = arith.constant 0 : i32
      %eq3A_982 = arith.cmpi eq, %jit3A_980, %eq3A_981 : i32
      %jit3A_983 = arith.constant 1 : i32
      %select_n3A_984 = arith.select %eq3A_982, %jit3A_983, %jit3A_980 : i32
      %rem3A_985 = arith.remsi %add3A_955, %select_n3A_984 : i32
      %ne3A_986 = arith.constant 0 : i32
      %ne3A_987 = arith.cmpi ne, %rem3A_985, %ne3A_986 : i32
      %lt3A_988 = arith.constant 0 : i32
      %lt3A_989 = arith.cmpi slt, %rem3A_985, %lt3A_988 : i32
      %lt3A_990 = arith.constant 0 : i32
      %lt3A_991 = arith.cmpi slt, %select_n3A_984, %lt3A_990 : i32
      %ne3A_992 = arith.xori %lt3A_989, %lt3A_991 : i1
      %and3A_993 = arith.andi %ne3A_992, %ne3A_987 : i1
      %add3A_994 = arith.addi %rem3A_985, %select_n3A_984 : i32
      %select_n3A_995 = arith.select %and3A_993, %add3A_994, %rem3A_985 : i32
      %mul3A_996 = arith.constant 128 : i32
      %mul3A_997 = arith.muli %select_n3A_995, %mul3A_996 : i32
      %dma_start3A_998 = arith.constant 3 : i32
      %dma_start3A_999 = arith.constant 0 : i32
      %dma_start3A_1000 = arith.constant 0 : i32
      %dma_start3A_1001 = tpu.memref_slice %arg6[%dma_start3A_998, %dma_start3A_999, %dma_start3A_1000] : memref<5x128x32xf32, #tpu.memory_space<vmem>> -> memref<1x128x32xf32, #tpu.memory_space<vmem>>
      %dma_start3A_1002 = tpu.memref_squeeze %dma_start3A_1001 : memref<1x128x32xf32, #tpu.memory_space<vmem>> -> memref<128x32xf32, #tpu.memory_space<vmem>>
      %dma_start3A_1003 = arith.constant 0 : i32
      %dma_start3A_1004 = tpu.memref_slice %arg4[%select_n3A_979, %mul3A_997, %dma_start3A_1003] : memref<50x4096x32xf32, #tpu.memory_space<hbm>> -> memref<1x128x32xf32, #tpu.memory_space<hbm>>
      %dma_start3A_1005 = tpu.memref_squeeze %dma_start3A_1004 : memref<1x128x32xf32, #tpu.memory_space<hbm>> -> memref<128x32xf32, #tpu.memory_space<hbm>>
      %dma_start3A_1006 = arith.constant 0 : i32
      %dma_start3A_1007 = tpu.memref_slice %arg4[%select_n3A_979, %mul3A_997, %dma_start3A_1006] : memref<50x4096x32xf32, #tpu.memory_space<hbm>> -> memref<1x128x32xf32, #tpu.memory_space<hbm>>
      %dma_start3A_1008 = tpu.memref_squeeze %dma_start3A_1007 : memref<1x128x32xf32, #tpu.memory_space<hbm>> -> memref<128x32xf32, #tpu.memory_space<hbm>>
      %dma_start3A_1009 = arith.constant 0 : i32
      %dma_start3A_1010 = arith.constant 0 : i32
      %dma_start3A_1011 = tpu.memref_slice %arg6[%dma_start3A_998, %dma_start3A_1009, %dma_start3A_1010] : memref<5x128x32xf32, #tpu.memory_space<vmem>> -> memref<1x128x32xf32, #tpu.memory_space<vmem>>
      %dma_start3A_1012 = tpu.memref_squeeze %dma_start3A_1011 : memref<1x128x32xf32, #tpu.memory_space<vmem>> -> memref<128x32xf32, #tpu.memory_space<vmem>>
      tpu.enqueue_dma source(%dma_start3A_1012 : memref<128x32xf32, #tpu.memory_space<vmem>>) target(%dma_start3A_1008 : memref<128x32xf32, #tpu.memory_space<hbm>>) target_semaphore(%arg16 : memref<!tpu.dma_semaphore, #tpu.memory_space<semaphore_mem>>)
      %add3A_1013 = arith.constant 4 : i32
      %add3A_1014 = arith.addi %mul3A_720, %add3A_1013 : i32
      %dma_wait3A_1015 = arith.constant 4 : i32
      %dma_wait3A_1016 = arith.constant 0 : i32
      %dma_wait3A_1017 = arith.constant 0 : i32
      %dma_wait3A_1018 = tpu.memref_slice %arg6[%dma_wait3A_1015, %dma_wait3A_1016, %dma_wait3A_1017] : memref<5x128x32xf32, #tpu.memory_space<vmem>> -> memref<1x128x32xf32, #tpu.memory_space<vmem>>
      %dma_wait3A_1019 = tpu.memref_squeeze %dma_wait3A_1018 : memref<1x128x32xf32, #tpu.memory_space<vmem>> -> memref<128x32xf32, #tpu.memory_space<vmem>>
      %dma_wait3A_1020 = arith.constant 0 : i32
      %dma_wait3A_1021 = tpu.memref_slice %arg5[%add3A_1014, %dma_wait3A_1020] : memref<50x128xi32, #tpu.memory_space<vmem>> -> memref<1x128xi32, #tpu.memory_space<vmem>>
      %dma_wait3A_1022 = tpu.memref_squeeze %dma_wait3A_1021 : memref<1x128xi32, #tpu.memory_space<vmem>> -> memref<128xi32, #tpu.memory_space<vmem>>
      %dma_wait3A_1023 = arith.constant 0 : i32
      %dma_wait3A_1024 = arith.constant 0 : i32
      %dma_wait3A_1025 = tpu.memref_slice %arg3[%dma_wait3A_1023, %dma_wait3A_1024] : memref<1000000x32xf32, #tpu.memory_space<hbm>> -> memref<1000000x32xf32, #tpu.memory_space<hbm>>
      tpu.wait_indirect_dma semaphore(%arg12 : memref<!tpu.dma_semaphore, #tpu.memory_space<semaphore_mem>>) src(%dma_wait3A_1025 : memref<1000000x32xf32, #tpu.memory_space<hbm>>) dst(%dma_wait3A_1019 : memref<128x32xf32, #tpu.memory_space<vmem>>)
      %add3A_1026 = arith.constant 4 : i32
      %add3A_1027 = arith.addi %mul3A_720, %add3A_1026 : i32
      %add3A_1028 = arith.addi %mul3A_2, %add3A_1027 : i32
      %jit3A_1029 = arith.constant 32 : i32
      %div3A_1030 = arith.divsi %add3A_1028, %jit3A_1029 : i32
      %sign3A_1031 = arith.constant 0 : i32
      %sign3A_1032 = arith.cmpi sgt, %add3A_1028, %sign3A_1031 : i32
      %sign3A_1033 = arith.extui %sign3A_1032 : i1 to i32
      %sign3A_1034 = arith.constant 0 : i32
      %sign3A_1035 = arith.cmpi slt, %add3A_1028, %sign3A_1034 : i32
      %sign3A_1036 = arith.extui %sign3A_1035 : i1 to i32
      %sign3A_1037 = arith.subi %sign3A_1033, %sign3A_1036 : i32
      %sign3A_1038 = arith.constant 0 : i32
      %sign3A_1039 = arith.cmpi sgt, %jit3A_1029, %sign3A_1038 : i32
      %sign3A_1040 = arith.extui %sign3A_1039 : i1 to i32
      %sign3A_1041 = arith.constant 0 : i32
      %sign3A_1042 = arith.cmpi slt, %jit3A_1029, %sign3A_1041 : i32
      %sign3A_1043 = arith.extui %sign3A_1042 : i1 to i32
      %sign3A_1044 = arith.subi %sign3A_1040, %sign3A_1043 : i32
      %ne3A_1045 = arith.cmpi ne, %sign3A_1037, %sign3A_1044 : i32
      %rem3A_1046 = arith.remsi %add3A_1028, %jit3A_1029 : i32
      %ne3A_1047 = arith.constant 0 : i32
      %ne3A_1048 = arith.cmpi ne, %rem3A_1046, %ne3A_1047 : i32
      %and3A_1049 = arith.andi %ne3A_1045, %ne3A_1048 : i1
      %sub3A_1050 = arith.constant 1 : i32
      %sub3A_1051 = arith.subi %div3A_1030, %sub3A_1050 : i32
      %select_n3A_1052 = arith.select %and3A_1049, %sub3A_1051, %div3A_1030 : i32
      %jit3A_1053 = arith.constant 32 : i32
      %eq3A_1054 = arith.constant 0 : i32
      %eq3A_1055 = arith.cmpi eq, %jit3A_1053, %eq3A_1054 : i32
      %jit3A_1056 = arith.constant 1 : i32
      %select_n3A_1057 = arith.select %eq3A_1055, %jit3A_1056, %jit3A_1053 : i32
      %rem3A_1058 = arith.remsi %add3A_1028, %select_n3A_1057 : i32
      %ne3A_1059 = arith.constant 0 : i32
      %ne3A_1060 = arith.cmpi ne, %rem3A_1058, %ne3A_1059 : i32
      %lt3A_1061 = arith.constant 0 : i32
      %lt3A_1062 = arith.cmpi slt, %rem3A_1058, %lt3A_1061 : i32
      %lt3A_1063 = arith.constant 0 : i32
      %lt3A_1064 = arith.cmpi slt, %select_n3A_1057, %lt3A_1063 : i32
      %ne3A_1065 = arith.xori %lt3A_1062, %lt3A_1064 : i1
      %and3A_1066 = arith.andi %ne3A_1065, %ne3A_1060 : i1
      %add3A_1067 = arith.addi %rem3A_1058, %select_n3A_1057 : i32
      %select_n3A_1068 = arith.select %and3A_1066, %add3A_1067, %rem3A_1058 : i32
      %mul3A_1069 = arith.constant 128 : i32
      %mul3A_1070 = arith.muli %select_n3A_1068, %mul3A_1069 : i32
      %dma_start3A_1071 = arith.constant 4 : i32
      %dma_start3A_1072 = arith.constant 0 : i32
      %dma_start3A_1073 = arith.constant 0 : i32
      %dma_start3A_1074 = tpu.memref_slice %arg6[%dma_start3A_1071, %dma_start3A_1072, %dma_start3A_1073] : memref<5x128x32xf32, #tpu.memory_space<vmem>> -> memref<1x128x32xf32, #tpu.memory_space<vmem>>
      %dma_start3A_1075 = tpu.memref_squeeze %dma_start3A_1074 : memref<1x128x32xf32, #tpu.memory_space<vmem>> -> memref<128x32xf32, #tpu.memory_space<vmem>>
      %dma_start3A_1076 = arith.constant 0 : i32
      %dma_start3A_1077 = tpu.memref_slice %arg4[%select_n3A_1052, %mul3A_1070, %dma_start3A_1076] : memref<50x4096x32xf32, #tpu.memory_space<hbm>> -> memref<1x128x32xf32, #tpu.memory_space<hbm>>
      %dma_start3A_1078 = tpu.memref_squeeze %dma_start3A_1077 : memref<1x128x32xf32, #tpu.memory_space<hbm>> -> memref<128x32xf32, #tpu.memory_space<hbm>>
      %dma_start3A_1079 = arith.constant 0 : i32
      %dma_start3A_1080 = tpu.memref_slice %arg4[%select_n3A_1052, %mul3A_1070, %dma_start3A_1079] : memref<50x4096x32xf32, #tpu.memory_space<hbm>> -> memref<1x128x32xf32, #tpu.memory_space<hbm>>
      %dma_start3A_1081 = tpu.memref_squeeze %dma_start3A_1080 : memref<1x128x32xf32, #tpu.memory_space<hbm>> -> memref<128x32xf32, #tpu.memory_space<hbm>>
      %dma_start3A_1082 = arith.constant 0 : i32
      %dma_start3A_1083 = arith.constant 0 : i32
      %dma_start3A_1084 = tpu.memref_slice %arg6[%dma_start3A_1071, %dma_start3A_1082, %dma_start3A_1083] : memref<5x128x32xf32, #tpu.memory_space<vmem>> -> memref<1x128x32xf32, #tpu.memory_space<vmem>>
      %dma_start3A_1085 = tpu.memref_squeeze %dma_start3A_1084 : memref<1x128x32xf32, #tpu.memory_space<vmem>> -> memref<128x32xf32, #tpu.memory_space<vmem>>
      tpu.enqueue_dma source(%dma_start3A_1085 : memref<128x32xf32, #tpu.memory_space<vmem>>) target(%dma_start3A_1081 : memref<128x32xf32, #tpu.memory_space<hbm>>) target_semaphore(%arg17 : memref<!tpu.dma_semaphore, #tpu.memory_space<semaphore_mem>>)
      %add3A_1086 = arith.constant 0 : i32
      %add3A_1087 = arith.addi %mul3A_720, %add3A_1086 : i32
      %add3A_1088 = arith.addi %mul3A_2, %add3A_1087 : i32
      %jit3A_1089 = arith.constant 32 : i32
      %div3A_1090 = arith.divsi %add3A_1088, %jit3A_1089 : i32
      %sign3A_1091 = arith.constant 0 : i32
      %sign3A_1092 = arith.cmpi sgt, %add3A_1088, %sign3A_1091 : i32
      %sign3A_1093 = arith.extui %sign3A_1092 : i1 to i32
      %sign3A_1094 = arith.constant 0 : i32
      %sign3A_1095 = arith.cmpi slt, %add3A_1088, %sign3A_1094 : i32
      %sign3A_1096 = arith.extui %sign3A_1095 : i1 to i32
      %sign3A_1097 = arith.subi %sign3A_1093, %sign3A_1096 : i32
      %sign3A_1098 = arith.constant 0 : i32
      %sign3A_1099 = arith.cmpi sgt, %jit3A_1089, %sign3A_1098 : i32
      %sign3A_1100 = arith.extui %sign3A_1099 : i1 to i32
      %sign3A_1101 = arith.constant 0 : i32
      %sign3A_1102 = arith.cmpi slt, %jit3A_1089, %sign3A_1101 : i32
      %sign3A_1103 = arith.extui %sign3A_1102 : i1 to i32
      %sign3A_1104 = arith.subi %sign3A_1100, %sign3A_1103 : i32
      %ne3A_1105 = arith.cmpi ne, %sign3A_1097, %sign3A_1104 : i32
      %rem3A_1106 = arith.remsi %add3A_1088, %jit3A_1089 : i32
      %ne3A_1107 = arith.constant 0 : i32
      %ne3A_1108 = arith.cmpi ne, %rem3A_1106, %ne3A_1107 : i32
      %and3A_1109 = arith.andi %ne3A_1105, %ne3A_1108 : i1
      %sub3A_1110 = arith.constant 1 : i32
      %sub3A_1111 = arith.subi %div3A_1090, %sub3A_1110 : i32
      %select_n3A_1112 = arith.select %and3A_1109, %sub3A_1111, %div3A_1090 : i32
      %jit3A_1113 = arith.constant 32 : i32
      %eq3A_1114 = arith.constant 0 : i32
      %eq3A_1115 = arith.cmpi eq, %jit3A_1113, %eq3A_1114 : i32
      %jit3A_1116 = arith.constant 1 : i32
      %select_n3A_1117 = arith.select %eq3A_1115, %jit3A_1116, %jit3A_1113 : i32
      %rem3A_1118 = arith.remsi %add3A_1088, %select_n3A_1117 : i32
      %ne3A_1119 = arith.constant 0 : i32
      %ne3A_1120 = arith.cmpi ne, %rem3A_1118, %ne3A_1119 : i32
      %lt3A_1121 = arith.constant 0 : i32
      %lt3A_1122 = arith.cmpi slt, %rem3A_1118, %lt3A_1121 : i32
      %lt3A_1123 = arith.constant 0 : i32
      %lt3A_1124 = arith.cmpi slt, %select_n3A_1117, %lt3A_1123 : i32
      %ne3A_1125 = arith.xori %lt3A_1122, %lt3A_1124 : i1
      %and3A_1126 = arith.andi %ne3A_1125, %ne3A_1120 : i1
      %add3A_1127 = arith.addi %rem3A_1118, %select_n3A_1117 : i32
      %select_n3A_1128 = arith.select %and3A_1126, %add3A_1127, %rem3A_1118 : i32
      %mul3A_1129 = arith.constant 128 : i32
      %mul3A_1130 = arith.muli %select_n3A_1128, %mul3A_1129 : i32
      %dma_wait3A_1131 = arith.constant 0 : i32
      %dma_wait3A_1132 = arith.constant 0 : i32
      %dma_wait3A_1133 = arith.constant 0 : i32
      %dma_wait3A_1134 = tpu.memref_slice %arg6[%dma_wait3A_1131, %dma_wait3A_1132, %dma_wait3A_1133] : memref<5x128x32xf32, #tpu.memory_space<vmem>> -> memref<1x128x32xf32, #tpu.memory_space<vmem>>
      %dma_wait3A_1135 = tpu.memref_squeeze %dma_wait3A_1134 : memref<1x128x32xf32, #tpu.memory_space<vmem>> -> memref<128x32xf32, #tpu.memory_space<vmem>>
      %dma_wait3A_1136 = arith.constant 0 : i32
      %dma_wait3A_1137 = tpu.memref_slice %arg4[%select_n3A_1112, %mul3A_1130, %dma_wait3A_1136] : memref<50x4096x32xf32, #tpu.memory_space<hbm>> -> memref<1x128x32xf32, #tpu.memory_space<hbm>>
      %dma_wait3A_1138 = tpu.memref_squeeze %dma_wait3A_1137 : memref<1x128x32xf32, #tpu.memory_space<hbm>> -> memref<128x32xf32, #tpu.memory_space<hbm>>
      %dma_wait3A_1139 = arith.constant 0 : i32
      %dma_wait3A_1140 = tpu.memref_slice %arg4[%select_n3A_1112, %mul3A_1130, %dma_wait3A_1139] : memref<50x4096x32xf32, #tpu.memory_space<hbm>> -> memref<1x128x32xf32, #tpu.memory_space<hbm>>
      %dma_wait3A_1141 = tpu.memref_squeeze %dma_wait3A_1140 : memref<1x128x32xf32, #tpu.memory_space<hbm>> -> memref<128x32xf32, #tpu.memory_space<hbm>>
      %dma_wait3A_1142 = arith.constant 0 : i32
      %dma_wait3A_1143 = arith.constant 0 : i32
      %dma_wait3A_1144 = tpu.memref_slice %arg6[%dma_wait3A_1131, %dma_wait3A_1142, %dma_wait3A_1143] : memref<5x128x32xf32, #tpu.memory_space<vmem>> -> memref<1x128x32xf32, #tpu.memory_space<vmem>>
      %dma_wait3A_1145 = tpu.memref_squeeze %dma_wait3A_1144 : memref<1x128x32xf32, #tpu.memory_space<vmem>> -> memref<128x32xf32, #tpu.memory_space<vmem>>
      tpu.wait_dma2 semaphore(%arg13 : memref<!tpu.dma_semaphore, #tpu.memory_space<semaphore_mem>>) src(%dma_wait3A_1145 : memref<128x32xf32, #tpu.memory_space<vmem>>) dst(%dma_wait3A_1141 : memref<128x32xf32, #tpu.memory_space<hbm>>)
      %add3A_1146 = arith.constant 0 : i32
      %add3A_1147 = arith.addi %mul3A_720, %add3A_1146 : i32
      %add3A_1148 = arith.constant 5 : i32
      %add3A_1149 = arith.addi %add3A_1147, %add3A_1148 : i32
      %dma_start3A_1150 = arith.constant 0 : i32
      %dma_start3A_1151 = arith.constant 0 : i32
      %dma_start3A_1152 = arith.constant 0 : i32
      %dma_start3A_1153 = tpu.memref_slice %arg6[%dma_start3A_1150, %dma_start3A_1151, %dma_start3A_1152] : memref<5x128x32xf32, #tpu.memory_space<vmem>> -> memref<1x128x32xf32, #tpu.memory_space<vmem>>
      %dma_start3A_1154 = tpu.memref_squeeze %dma_start3A_1153 : memref<1x128x32xf32, #tpu.memory_space<vmem>> -> memref<128x32xf32, #tpu.memory_space<vmem>>
      %dma_start3A_1155 = arith.constant 0 : i32
      %dma_start3A_1156 = tpu.memref_slice %arg5[%add3A_1149, %dma_start3A_1155] : memref<50x128xi32, #tpu.memory_space<vmem>> -> memref<1x128xi32, #tpu.memory_space<vmem>>
      %dma_start3A_1157 = tpu.memref_squeeze %dma_start3A_1156 : memref<1x128xi32, #tpu.memory_space<vmem>> -> memref<128xi32, #tpu.memory_space<vmem>>
      %dma_start3A_1158 = arith.constant 0 : i32
      %dma_start3A_1159 = arith.constant 0 : i32
      %dma_start3A_1160 = tpu.memref_slice %arg3[%dma_start3A_1158, %dma_start3A_1159] : memref<1000000x32xf32, #tpu.memory_space<hbm>> -> memref<1000000x32xf32, #tpu.memory_space<hbm>>
      tpu.enqueue_indirect_dma source(%dma_start3A_1160 : memref<1000000x32xf32, #tpu.memory_space<hbm>>) target(%dma_start3A_1154 : memref<128x32xf32, #tpu.memory_space<vmem>>) offsets(%dma_start3A_1157 : memref<128xi32, #tpu.memory_space<vmem>>) semaphore(%arg8 : memref<!tpu.dma_semaphore, #tpu.memory_space<semaphore_mem>>)
      %add3A_1161 = arith.constant 1 : i32
      %add3A_1162 = arith.addi %mul3A_720, %add3A_1161 : i32
      %add3A_1163 = arith.addi %mul3A_2, %add3A_1162 : i32
      %jit3A_1164 = arith.constant 32 : i32
      %div3A_1165 = arith.divsi %add3A_1163, %jit3A_1164 : i32
      %sign3A_1166 = arith.constant 0 : i32
      %sign3A_1167 = arith.cmpi sgt, %add3A_1163, %sign3A_1166 : i32
      %sign3A_1168 = arith.extui %sign3A_1167 : i1 to i32
      %sign3A_1169 = arith.constant 0 : i32
      %sign3A_1170 = arith.cmpi slt, %add3A_1163, %sign3A_1169 : i32
      %sign3A_1171 = arith.extui %sign3A_1170 : i1 to i32
      %sign3A_1172 = arith.subi %sign3A_1168, %sign3A_1171 : i32
      %sign3A_1173 = arith.constant 0 : i32
      %sign3A_1174 = arith.cmpi sgt, %jit3A_1164, %sign3A_1173 : i32
      %sign3A_1175 = arith.extui %sign3A_1174 : i1 to i32
      %sign3A_1176 = arith.constant 0 : i32
      %sign3A_1177 = arith.cmpi slt, %jit3A_1164, %sign3A_1176 : i32
      %sign3A_1178 = arith.extui %sign3A_1177 : i1 to i32
      %sign3A_1179 = arith.subi %sign3A_1175, %sign3A_1178 : i32
      %ne3A_1180 = arith.cmpi ne, %sign3A_1172, %sign3A_1179 : i32
      %rem3A_1181 = arith.remsi %add3A_1163, %jit3A_1164 : i32
      %ne3A_1182 = arith.constant 0 : i32
      %ne3A_1183 = arith.cmpi ne, %rem3A_1181, %ne3A_1182 : i32
      %and3A_1184 = arith.andi %ne3A_1180, %ne3A_1183 : i1
      %sub3A_1185 = arith.constant 1 : i32
      %sub3A_1186 = arith.subi %div3A_1165, %sub3A_1185 : i32
      %select_n3A_1187 = arith.select %and3A_1184, %sub3A_1186, %div3A_1165 : i32
      %jit3A_1188 = arith.constant 32 : i32
      %eq3A_1189 = arith.constant 0 : i32
      %eq3A_1190 = arith.cmpi eq, %jit3A_1188, %eq3A_1189 : i32
      %jit3A_1191 = arith.constant 1 : i32
      %select_n3A_1192 = arith.select %eq3A_1190, %jit3A_1191, %jit3A_1188 : i32
      %rem3A_1193 = arith.remsi %add3A_1163, %select_n3A_1192 : i32
      %ne3A_1194 = arith.constant 0 : i32
      %ne3A_1195 = arith.cmpi ne, %rem3A_1193, %ne3A_1194 : i32
      %lt3A_1196 = arith.constant 0 : i32
      %lt3A_1197 = arith.cmpi slt, %rem3A_1193, %lt3A_1196 : i32
      %lt3A_1198 = arith.constant 0 : i32
      %lt3A_1199 = arith.cmpi slt, %select_n3A_1192, %lt3A_1198 : i32
      %ne3A_1200 = arith.xori %lt3A_1197, %lt3A_1199 : i1
      %and3A_1201 = arith.andi %ne3A_1200, %ne3A_1195 : i1
      %add3A_1202 = arith.addi %rem3A_1193, %select_n3A_1192 : i32
      %select_n3A_1203 = arith.select %and3A_1201, %add3A_1202, %rem3A_1193 : i32
      %mul3A_1204 = arith.constant 128 : i32
      %mul3A_1205 = arith.muli %select_n3A_1203, %mul3A_1204 : i32
      %dma_wait3A_1206 = arith.constant 1 : i32
      %dma_wait3A_1207 = arith.constant 0 : i32
      %dma_wait3A_1208 = arith.constant 0 : i32
      %dma_wait3A_1209 = tpu.memref_slice %arg6[%dma_wait3A_1206, %dma_wait3A_1207, %dma_wait3A_1208] : memref<5x128x32xf32, #tpu.memory_space<vmem>> -> memref<1x128x32xf32, #tpu.memory_space<vmem>>
      %dma_wait3A_1210 = tpu.memref_squeeze %dma_wait3A_1209 : memref<1x128x32xf32, #tpu.memory_space<vmem>> -> memref<128x32xf32, #tpu.memory_space<vmem>>
      %dma_wait3A_1211 = arith.constant 0 : i32
      %dma_wait3A_1212 = tpu.memref_slice %arg4[%select_n3A_1187, %mul3A_1205, %dma_wait3A_1211] : memref<50x4096x32xf32, #tpu.memory_space<hbm>> -> memref<1x128x32xf32, #tpu.memory_space<hbm>>
      %dma_wait3A_1213 = tpu.memref_squeeze %dma_wait3A_1212 : memref<1x128x32xf32, #tpu.memory_space<hbm>> -> memref<128x32xf32, #tpu.memory_space<hbm>>
      %dma_wait3A_1214 = arith.constant 0 : i32
      %dma_wait3A_1215 = tpu.memref_slice %arg4[%select_n3A_1187, %mul3A_1205, %dma_wait3A_1214] : memref<50x4096x32xf32, #tpu.memory_space<hbm>> -> memref<1x128x32xf32, #tpu.memory_space<hbm>>
      %dma_wait3A_1216 = tpu.memref_squeeze %dma_wait3A_1215 : memref<1x128x32xf32, #tpu.memory_space<hbm>> -> memref<128x32xf32, #tpu.memory_space<hbm>>
      %dma_wait3A_1217 = arith.constant 0 : i32
      %dma_wait3A_1218 = arith.constant 0 : i32
      %dma_wait3A_1219 = tpu.memref_slice %arg6[%dma_wait3A_1206, %dma_wait3A_1217, %dma_wait3A_1218] : memref<5x128x32xf32, #tpu.memory_space<vmem>> -> memref<1x128x32xf32, #tpu.memory_space<vmem>>
      %dma_wait3A_1220 = tpu.memref_squeeze %dma_wait3A_1219 : memref<1x128x32xf32, #tpu.memory_space<vmem>> -> memref<128x32xf32, #tpu.memory_space<vmem>>
      tpu.wait_dma2 semaphore(%arg14 : memref<!tpu.dma_semaphore, #tpu.memory_space<semaphore_mem>>) src(%dma_wait3A_1220 : memref<128x32xf32, #tpu.memory_space<vmem>>) dst(%dma_wait3A_1216 : memref<128x32xf32, #tpu.memory_space<hbm>>)
      %add3A_1221 = arith.constant 1 : i32
      %add3A_1222 = arith.addi %mul3A_720, %add3A_1221 : i32
      %add3A_1223 = arith.constant 5 : i32
      %add3A_1224 = arith.addi %add3A_1222, %add3A_1223 : i32
      %dma_start3A_1225 = arith.constant 1 : i32
      %dma_start3A_1226 = arith.constant 0 : i32
      %dma_start3A_1227 = arith.constant 0 : i32
      %dma_start3A_1228 = tpu.memref_slice %arg6[%dma_start3A_1225, %dma_start3A_1226, %dma_start3A_1227] : memref<5x128x32xf32, #tpu.memory_space<vmem>> -> memref<1x128x32xf32, #tpu.memory_space<vmem>>
      %dma_start3A_1229 = tpu.memref_squeeze %dma_start3A_1228 : memref<1x128x32xf32, #tpu.memory_space<vmem>> -> memref<128x32xf32, #tpu.memory_space<vmem>>
      %dma_start3A_1230 = arith.constant 0 : i32
      %dma_start3A_1231 = tpu.memref_slice %arg5[%add3A_1224, %dma_start3A_1230] : memref<50x128xi32, #tpu.memory_space<vmem>> -> memref<1x128xi32, #tpu.memory_space<vmem>>
      %dma_start3A_1232 = tpu.memref_squeeze %dma_start3A_1231 : memref<1x128xi32, #tpu.memory_space<vmem>> -> memref<128xi32, #tpu.memory_space<vmem>>
      %dma_start3A_1233 = arith.constant 0 : i32
      %dma_start3A_1234 = arith.constant 0 : i32
      %dma_start3A_1235 = tpu.memref_slice %arg3[%dma_start3A_1233, %dma_start3A_1234] : memref<1000000x32xf32, #tpu.memory_space<hbm>> -> memref<1000000x32xf32, #tpu.memory_space<hbm>>
      tpu.enqueue_indirect_dma source(%dma_start3A_1235 : memref<1000000x32xf32, #tpu.memory_space<hbm>>) target(%dma_start3A_1229 : memref<128x32xf32, #tpu.memory_space<vmem>>) offsets(%dma_start3A_1232 : memref<128xi32, #tpu.memory_space<vmem>>) semaphore(%arg9 : memref<!tpu.dma_semaphore, #tpu.memory_space<semaphore_mem>>)
      %add3A_1236 = arith.constant 2 : i32
      %add3A_1237 = arith.addi %mul3A_720, %add3A_1236 : i32
      %add3A_1238 = arith.addi %mul3A_2, %add3A_1237 : i32
      %jit3A_1239 = arith.constant 32 : i32
      %div3A_1240 = arith.divsi %add3A_1238, %jit3A_1239 : i32
      %sign3A_1241 = arith.constant 0 : i32
      %sign3A_1242 = arith.cmpi sgt, %add3A_1238, %sign3A_1241 : i32
      %sign3A_1243 = arith.extui %sign3A_1242 : i1 to i32
      %sign3A_1244 = arith.constant 0 : i32
      %sign3A_1245 = arith.cmpi slt, %add3A_1238, %sign3A_1244 : i32
      %sign3A_1246 = arith.extui %sign3A_1245 : i1 to i32
      %sign3A_1247 = arith.subi %sign3A_1243, %sign3A_1246 : i32
      %sign3A_1248 = arith.constant 0 : i32
      %sign3A_1249 = arith.cmpi sgt, %jit3A_1239, %sign3A_1248 : i32
      %sign3A_1250 = arith.extui %sign3A_1249 : i1 to i32
      %sign3A_1251 = arith.constant 0 : i32
      %sign3A_1252 = arith.cmpi slt, %jit3A_1239, %sign3A_1251 : i32
      %sign3A_1253 = arith.extui %sign3A_1252 : i1 to i32
      %sign3A_1254 = arith.subi %sign3A_1250, %sign3A_1253 : i32
      %ne3A_1255 = arith.cmpi ne, %sign3A_1247, %sign3A_1254 : i32
      %rem3A_1256 = arith.remsi %add3A_1238, %jit3A_1239 : i32
      %ne3A_1257 = arith.constant 0 : i32
      %ne3A_1258 = arith.cmpi ne, %rem3A_1256, %ne3A_1257 : i32
      %and3A_1259 = arith.andi %ne3A_1255, %ne3A_1258 : i1
      %sub3A_1260 = arith.constant 1 : i32
      %sub3A_1261 = arith.subi %div3A_1240, %sub3A_1260 : i32
      %select_n3A_1262 = arith.select %and3A_1259, %sub3A_1261, %div3A_1240 : i32
      %jit3A_1263 = arith.constant 32 : i32
      %eq3A_1264 = arith.constant 0 : i32
      %eq3A_1265 = arith.cmpi eq, %jit3A_1263, %eq3A_1264 : i32
      %jit3A_1266 = arith.constant 1 : i32
      %select_n3A_1267 = arith.select %eq3A_1265, %jit3A_1266, %jit3A_1263 : i32
      %rem3A_1268 = arith.remsi %add3A_1238, %select_n3A_1267 : i32
      %ne3A_1269 = arith.constant 0 : i32
      %ne3A_1270 = arith.cmpi ne, %rem3A_1268, %ne3A_1269 : i32
      %lt3A_1271 = arith.constant 0 : i32
      %lt3A_1272 = arith.cmpi slt, %rem3A_1268, %lt3A_1271 : i32
      %lt3A_1273 = arith.constant 0 : i32
      %lt3A_1274 = arith.cmpi slt, %select_n3A_1267, %lt3A_1273 : i32
      %ne3A_1275 = arith.xori %lt3A_1272, %lt3A_1274 : i1
      %and3A_1276 = arith.andi %ne3A_1275, %ne3A_1270 : i1
      %add3A_1277 = arith.addi %rem3A_1268, %select_n3A_1267 : i32
      %select_n3A_1278 = arith.select %and3A_1276, %add3A_1277, %rem3A_1268 : i32
      %mul3A_1279 = arith.constant 128 : i32
      %mul3A_1280 = arith.muli %select_n3A_1278, %mul3A_1279 : i32
      %dma_wait3A_1281 = arith.constant 2 : i32
      %dma_wait3A_1282 = arith.constant 0 : i32
      %dma_wait3A_1283 = arith.constant 0 : i32
      %dma_wait3A_1284 = tpu.memref_slice %arg6[%dma_wait3A_1281, %dma_wait3A_1282, %dma_wait3A_1283] : memref<5x128x32xf32, #tpu.memory_space<vmem>> -> memref<1x128x32xf32, #tpu.memory_space<vmem>>
      %dma_wait3A_1285 = tpu.memref_squeeze %dma_wait3A_1284 : memref<1x128x32xf32, #tpu.memory_space<vmem>> -> memref<128x32xf32, #tpu.memory_space<vmem>>
      %dma_wait3A_1286 = arith.constant 0 : i32
      %dma_wait3A_1287 = tpu.memref_slice %arg4[%select_n3A_1262, %mul3A_1280, %dma_wait3A_1286] : memref<50x4096x32xf32, #tpu.memory_space<hbm>> -> memref<1x128x32xf32, #tpu.memory_space<hbm>>
      %dma_wait3A_1288 = tpu.memref_squeeze %dma_wait3A_1287 : memref<1x128x32xf32, #tpu.memory_space<hbm>> -> memref<128x32xf32, #tpu.memory_space<hbm>>
      %dma_wait3A_1289 = arith.constant 0 : i32
      %dma_wait3A_1290 = tpu.memref_slice %arg4[%select_n3A_1262, %mul3A_1280, %dma_wait3A_1289] : memref<50x4096x32xf32, #tpu.memory_space<hbm>> -> memref<1x128x32xf32, #tpu.memory_space<hbm>>
      %dma_wait3A_1291 = tpu.memref_squeeze %dma_wait3A_1290 : memref<1x128x32xf32, #tpu.memory_space<hbm>> -> memref<128x32xf32, #tpu.memory_space<hbm>>
      %dma_wait3A_1292 = arith.constant 0 : i32
      %dma_wait3A_1293 = arith.constant 0 : i32
      %dma_wait3A_1294 = tpu.memref_slice %arg6[%dma_wait3A_1281, %dma_wait3A_1292, %dma_wait3A_1293] : memref<5x128x32xf32, #tpu.memory_space<vmem>> -> memref<1x128x32xf32, #tpu.memory_space<vmem>>
      %dma_wait3A_1295 = tpu.memref_squeeze %dma_wait3A_1294 : memref<1x128x32xf32, #tpu.memory_space<vmem>> -> memref<128x32xf32, #tpu.memory_space<vmem>>
      tpu.wait_dma2 semaphore(%arg15 : memref<!tpu.dma_semaphore, #tpu.memory_space<semaphore_mem>>) src(%dma_wait3A_1295 : memref<128x32xf32, #tpu.memory_space<vmem>>) dst(%dma_wait3A_1291 : memref<128x32xf32, #tpu.memory_space<hbm>>)
      %add3A_1296 = arith.constant 2 : i32
      %add3A_1297 = arith.addi %mul3A_720, %add3A_1296 : i32
      %add3A_1298 = arith.constant 5 : i32
      %add3A_1299 = arith.addi %add3A_1297, %add3A_1298 : i32
      %dma_start3A_1300 = arith.constant 2 : i32
      %dma_start3A_1301 = arith.constant 0 : i32
      %dma_start3A_1302 = arith.constant 0 : i32
      %dma_start3A_1303 = tpu.memref_slice %arg6[%dma_start3A_1300, %dma_start3A_1301, %dma_start3A_1302] : memref<5x128x32xf32, #tpu.memory_space<vmem>> -> memref<1x128x32xf32, #tpu.memory_space<vmem>>
      %dma_start3A_1304 = tpu.memref_squeeze %dma_start3A_1303 : memref<1x128x32xf32, #tpu.memory_space<vmem>> -> memref<128x32xf32, #tpu.memory_space<vmem>>
      %dma_start3A_1305 = arith.constant 0 : i32
      %dma_start3A_1306 = tpu.memref_slice %arg5[%add3A_1299, %dma_start3A_1305] : memref<50x128xi32, #tpu.memory_space<vmem>> -> memref<1x128xi32, #tpu.memory_space<vmem>>
      %dma_start3A_1307 = tpu.memref_squeeze %dma_start3A_1306 : memref<1x128xi32, #tpu.memory_space<vmem>> -> memref<128xi32, #tpu.memory_space<vmem>>
      %dma_start3A_1308 = arith.constant 0 : i32
      %dma_start3A_1309 = arith.constant 0 : i32
      %dma_start3A_1310 = tpu.memref_slice %arg3[%dma_start3A_1308, %dma_start3A_1309] : memref<1000000x32xf32, #tpu.memory_space<hbm>> -> memref<1000000x32xf32, #tpu.memory_space<hbm>>
      tpu.enqueue_indirect_dma source(%dma_start3A_1310 : memref<1000000x32xf32, #tpu.memory_space<hbm>>) target(%dma_start3A_1304 : memref<128x32xf32, #tpu.memory_space<vmem>>) offsets(%dma_start3A_1307 : memref<128xi32, #tpu.memory_space<vmem>>) semaphore(%arg10 : memref<!tpu.dma_semaphore, #tpu.memory_space<semaphore_mem>>)
      %add3A_1311 = arith.constant 3 : i32
      %add3A_1312 = arith.addi %mul3A_720, %add3A_1311 : i32
      %add3A_1313 = arith.addi %mul3A_2, %add3A_1312 : i32
      %jit3A_1314 = arith.constant 32 : i32
      %div3A_1315 = arith.divsi %add3A_1313, %jit3A_1314 : i32
      %sign3A_1316 = arith.constant 0 : i32
      %sign3A_1317 = arith.cmpi sgt, %add3A_1313, %sign3A_1316 : i32
      %sign3A_1318 = arith.extui %sign3A_1317 : i1 to i32
      %sign3A_1319 = arith.constant 0 : i32
      %sign3A_1320 = arith.cmpi slt, %add3A_1313, %sign3A_1319 : i32
      %sign3A_1321 = arith.extui %sign3A_1320 : i1 to i32
      %sign3A_1322 = arith.subi %sign3A_1318, %sign3A_1321 : i32
      %sign3A_1323 = arith.constant 0 : i32
      %sign3A_1324 = arith.cmpi sgt, %jit3A_1314, %sign3A_1323 : i32
      %sign3A_1325 = arith.extui %sign3A_1324 : i1 to i32
      %sign3A_1326 = arith.constant 0 : i32
      %sign3A_1327 = arith.cmpi slt, %jit3A_1314, %sign3A_1326 : i32
      %sign3A_1328 = arith.extui %sign3A_1327 : i1 to i32
      %sign3A_1329 = arith.subi %sign3A_1325, %sign3A_1328 : i32
      %ne3A_1330 = arith.cmpi ne, %sign3A_1322, %sign3A_1329 : i32
      %rem3A_1331 = arith.remsi %add3A_1313, %jit3A_1314 : i32
      %ne3A_1332 = arith.constant 0 : i32
      %ne3A_1333 = arith.cmpi ne, %rem3A_1331, %ne3A_1332 : i32
      %and3A_1334 = arith.andi %ne3A_1330, %ne3A_1333 : i1
      %sub3A_1335 = arith.constant 1 : i32
      %sub3A_1336 = arith.subi %div3A_1315, %sub3A_1335 : i32
      %select_n3A_1337 = arith.select %and3A_1334, %sub3A_1336, %div3A_1315 : i32
      %jit3A_1338 = arith.constant 32 : i32
      %eq3A_1339 = arith.constant 0 : i32
      %eq3A_1340 = arith.cmpi eq, %jit3A_1338, %eq3A_1339 : i32
      %jit3A_1341 = arith.constant 1 : i32
      %select_n3A_1342 = arith.select %eq3A_1340, %jit3A_1341, %jit3A_1338 : i32
      %rem3A_1343 = arith.remsi %add3A_1313, %select_n3A_1342 : i32
      %ne3A_1344 = arith.constant 0 : i32
      %ne3A_1345 = arith.cmpi ne, %rem3A_1343, %ne3A_1344 : i32
      %lt3A_1346 = arith.constant 0 : i32
      %lt3A_1347 = arith.cmpi slt, %rem3A_1343, %lt3A_1346 : i32
      %lt3A_1348 = arith.constant 0 : i32
      %lt3A_1349 = arith.cmpi slt, %select_n3A_1342, %lt3A_1348 : i32
      %ne3A_1350 = arith.xori %lt3A_1347, %lt3A_1349 : i1
      %and3A_1351 = arith.andi %ne3A_1350, %ne3A_1345 : i1
      %add3A_1352 = arith.addi %rem3A_1343, %select_n3A_1342 : i32
      %select_n3A_1353 = arith.select %and3A_1351, %add3A_1352, %rem3A_1343 : i32
      %mul3A_1354 = arith.constant 128 : i32
      %mul3A_1355 = arith.muli %select_n3A_1353, %mul3A_1354 : i32
      %dma_wait3A_1356 = arith.constant 3 : i32
      %dma_wait3A_1357 = arith.constant 0 : i32
      %dma_wait3A_1358 = arith.constant 0 : i32
      %dma_wait3A_1359 = tpu.memref_slice %arg6[%dma_wait3A_1356, %dma_wait3A_1357, %dma_wait3A_1358] : memref<5x128x32xf32, #tpu.memory_space<vmem>> -> memref<1x128x32xf32, #tpu.memory_space<vmem>>
      %dma_wait3A_1360 = tpu.memref_squeeze %dma_wait3A_1359 : memref<1x128x32xf32, #tpu.memory_space<vmem>> -> memref<128x32xf32, #tpu.memory_space<vmem>>
      %dma_wait3A_1361 = arith.constant 0 : i32
      %dma_wait3A_1362 = tpu.memref_slice %arg4[%select_n3A_1337, %mul3A_1355, %dma_wait3A_1361] : memref<50x4096x32xf32, #tpu.memory_space<hbm>> -> memref<1x128x32xf32, #tpu.memory_space<hbm>>
      %dma_wait3A_1363 = tpu.memref_squeeze %dma_wait3A_1362 : memref<1x128x32xf32, #tpu.memory_space<hbm>> -> memref<128x32xf32, #tpu.memory_space<hbm>>
      %dma_wait3A_1364 = arith.constant 0 : i32
      %dma_wait3A_1365 = tpu.memref_slice %arg4[%select_n3A_1337, %mul3A_1355, %dma_wait3A_1364] : memref<50x4096x32xf32, #tpu.memory_space<hbm>> -> memref<1x128x32xf32, #tpu.memory_space<hbm>>
      %dma_wait3A_1366 = tpu.memref_squeeze %dma_wait3A_1365 : memref<1x128x32xf32, #tpu.memory_space<hbm>> -> memref<128x32xf32, #tpu.memory_space<hbm>>
      %dma_wait3A_1367 = arith.constant 0 : i32
      %dma_wait3A_1368 = arith.constant 0 : i32
      %dma_wait3A_1369 = tpu.memref_slice %arg6[%dma_wait3A_1356, %dma_wait3A_1367, %dma_wait3A_1368] : memref<5x128x32xf32, #tpu.memory_space<vmem>> -> memref<1x128x32xf32, #tpu.memory_space<vmem>>
      %dma_wait3A_1370 = tpu.memref_squeeze %dma_wait3A_1369 : memref<1x128x32xf32, #tpu.memory_space<vmem>> -> memref<128x32xf32, #tpu.memory_space<vmem>>
      tpu.wait_dma2 semaphore(%arg16 : memref<!tpu.dma_semaphore, #tpu.memory_space<semaphore_mem>>) src(%dma_wait3A_1370 : memref<128x32xf32, #tpu.memory_space<vmem>>) dst(%dma_wait3A_1366 : memref<128x32xf32, #tpu.memory_space<hbm>>)
      %add3A_1371 = arith.constant 3 : i32
      %add3A_1372 = arith.addi %mul3A_720, %add3A_1371 : i32
      %add3A_1373 = arith.constant 5 : i32
      %add3A_1374 = arith.addi %add3A_1372, %add3A_1373 : i32
      %dma_start3A_1375 = arith.constant 3 : i32
      %dma_start3A_1376 = arith.constant 0 : i32
      %dma_start3A_1377 = arith.constant 0 : i32
      %dma_start3A_1378 = tpu.memref_slice %arg6[%dma_start3A_1375, %dma_start3A_1376, %dma_start3A_1377] : memref<5x128x32xf32, #tpu.memory_space<vmem>> -> memref<1x128x32xf32, #tpu.memory_space<vmem>>
      %dma_start3A_1379 = tpu.memref_squeeze %dma_start3A_1378 : memref<1x128x32xf32, #tpu.memory_space<vmem>> -> memref<128x32xf32, #tpu.memory_space<vmem>>
      %dma_start3A_1380 = arith.constant 0 : i32
      %dma_start3A_1381 = tpu.memref_slice %arg5[%add3A_1374, %dma_start3A_1380] : memref<50x128xi32, #tpu.memory_space<vmem>> -> memref<1x128xi32, #tpu.memory_space<vmem>>
      %dma_start3A_1382 = tpu.memref_squeeze %dma_start3A_1381 : memref<1x128xi32, #tpu.memory_space<vmem>> -> memref<128xi32, #tpu.memory_space<vmem>>
      %dma_start3A_1383 = arith.constant 0 : i32
      %dma_start3A_1384 = arith.constant 0 : i32
      %dma_start3A_1385 = tpu.memref_slice %arg3[%dma_start3A_1383, %dma_start3A_1384] : memref<1000000x32xf32, #tpu.memory_space<hbm>> -> memref<1000000x32xf32, #tpu.memory_space<hbm>>
      tpu.enqueue_indirect_dma source(%dma_start3A_1385 : memref<1000000x32xf32, #tpu.memory_space<hbm>>) target(%dma_start3A_1379 : memref<128x32xf32, #tpu.memory_space<vmem>>) offsets(%dma_start3A_1382 : memref<128xi32, #tpu.memory_space<vmem>>) semaphore(%arg11 : memref<!tpu.dma_semaphore, #tpu.memory_space<semaphore_mem>>)
      %add3A_1386 = arith.constant 4 : i32
      %add3A_1387 = arith.addi %mul3A_720, %add3A_1386 : i32
      %add3A_1388 = arith.addi %mul3A_2, %add3A_1387 : i32
      %jit3A_1389 = arith.constant 32 : i32
      %div3A_1390 = arith.divsi %add3A_1388, %jit3A_1389 : i32
      %sign3A_1391 = arith.constant 0 : i32
      %sign3A_1392 = arith.cmpi sgt, %add3A_1388, %sign3A_1391 : i32
      %sign3A_1393 = arith.extui %sign3A_1392 : i1 to i32
      %sign3A_1394 = arith.constant 0 : i32
      %sign3A_1395 = arith.cmpi slt, %add3A_1388, %sign3A_1394 : i32
      %sign3A_1396 = arith.extui %sign3A_1395 : i1 to i32
      %sign3A_1397 = arith.subi %sign3A_1393, %sign3A_1396 : i32
      %sign3A_1398 = arith.constant 0 : i32
      %sign3A_1399 = arith.cmpi sgt, %jit3A_1389, %sign3A_1398 : i32
      %sign3A_1400 = arith.extui %sign3A_1399 : i1 to i32
      %sign3A_1401 = arith.constant 0 : i32
      %sign3A_1402 = arith.cmpi slt, %jit3A_1389, %sign3A_1401 : i32
      %sign3A_1403 = arith.extui %sign3A_1402 : i1 to i32
      %sign3A_1404 = arith.subi %sign3A_1400, %sign3A_1403 : i32
      %ne3A_1405 = arith.cmpi ne, %sign3A_1397, %sign3A_1404 : i32
      %rem3A_1406 = arith.remsi %add3A_1388, %jit3A_1389 : i32
      %ne3A_1407 = arith.constant 0 : i32
      %ne3A_1408 = arith.cmpi ne, %rem3A_1406, %ne3A_1407 : i32
      %and3A_1409 = arith.andi %ne3A_1405, %ne3A_1408 : i1
      %sub3A_1410 = arith.constant 1 : i32
      %sub3A_1411 = arith.subi %div3A_1390, %sub3A_1410 : i32
      %select_n3A_1412 = arith.select %and3A_1409, %sub3A_1411, %div3A_1390 : i32
      %jit3A_1413 = arith.constant 32 : i32
      %eq3A_1414 = arith.constant 0 : i32
      %eq3A_1415 = arith.cmpi eq, %jit3A_1413, %eq3A_1414 : i32
      %jit3A_1416 = arith.constant 1 : i32
      %select_n3A_1417 = arith.select %eq3A_1415, %jit3A_1416, %jit3A_1413 : i32
      %rem3A_1418 = arith.remsi %add3A_1388, %select_n3A_1417 : i32
      %ne3A_1419 = arith.constant 0 : i32
      %ne3A_1420 = arith.cmpi ne, %rem3A_1418, %ne3A_1419 : i32
      %lt3A_1421 = arith.constant 0 : i32
      %lt3A_1422 = arith.cmpi slt, %rem3A_1418, %lt3A_1421 : i32
      %lt3A_1423 = arith.constant 0 : i32
      %lt3A_1424 = arith.cmpi slt, %select_n3A_1417, %lt3A_1423 : i32
      %ne3A_1425 = arith.xori %lt3A_1422, %lt3A_1424 : i1
      %and3A_1426 = arith.andi %ne3A_1425, %ne3A_1420 : i1
      %add3A_1427 = arith.addi %rem3A_1418, %select_n3A_1417 : i32
      %select_n3A_1428 = arith.select %and3A_1426, %add3A_1427, %rem3A_1418 : i32
      %mul3A_1429 = arith.constant 128 : i32
      %mul3A_1430 = arith.muli %select_n3A_1428, %mul3A_1429 : i32
      %dma_wait3A_1431 = arith.constant 4 : i32
      %dma_wait3A_1432 = arith.constant 0 : i32
      %dma_wait3A_1433 = arith.constant 0 : i32
      %dma_wait3A_1434 = tpu.memref_slice %arg6[%dma_wait3A_1431, %dma_wait3A_1432, %dma_wait3A_1433] : memref<5x128x32xf32, #tpu.memory_space<vmem>> -> memref<1x128x32xf32, #tpu.memory_space<vmem>>
      %dma_wait3A_1435 = tpu.memref_squeeze %dma_wait3A_1434 : memref<1x128x32xf32, #tpu.memory_space<vmem>> -> memref<128x32xf32, #tpu.memory_space<vmem>>
      %dma_wait3A_1436 = arith.constant 0 : i32
      %dma_wait3A_1437 = tpu.memref_slice %arg4[%select_n3A_1412, %mul3A_1430, %dma_wait3A_1436] : memref<50x4096x32xf32, #tpu.memory_space<hbm>> -> memref<1x128x32xf32, #tpu.memory_space<hbm>>
      %dma_wait3A_1438 = tpu.memref_squeeze %dma_wait3A_1437 : memref<1x128x32xf32, #tpu.memory_space<hbm>> -> memref<128x32xf32, #tpu.memory_space<hbm>>
      %dma_wait3A_1439 = arith.constant 0 : i32
      %dma_wait3A_1440 = tpu.memref_slice %arg4[%select_n3A_1412, %mul3A_1430, %dma_wait3A_1439] : memref<50x4096x32xf32, #tpu.memory_space<hbm>> -> memref<1x128x32xf32, #tpu.memory_space<hbm>>
      %dma_wait3A_1441 = tpu.memref_squeeze %dma_wait3A_1440 : memref<1x128x32xf32, #tpu.memory_space<hbm>> -> memref<128x32xf32, #tpu.memory_space<hbm>>
      %dma_wait3A_1442 = arith.constant 0 : i32
      %dma_wait3A_1443 = arith.constant 0 : i32
      %dma_wait3A_1444 = tpu.memref_slice %arg6[%dma_wait3A_1431, %dma_wait3A_1442, %dma_wait3A_1443] : memref<5x128x32xf32, #tpu.memory_space<vmem>> -> memref<1x128x32xf32, #tpu.memory_space<vmem>>
      %dma_wait3A_1445 = tpu.memref_squeeze %dma_wait3A_1444 : memref<1x128x32xf32, #tpu.memory_space<vmem>> -> memref<128x32xf32, #tpu.memory_space<vmem>>
      tpu.wait_dma2 semaphore(%arg17 : memref<!tpu.dma_semaphore, #tpu.memory_space<semaphore_mem>>) src(%dma_wait3A_1445 : memref<128x32xf32, #tpu.memory_space<vmem>>) dst(%dma_wait3A_1441 : memref<128x32xf32, #tpu.memory_space<hbm>>)
      %add3A_1446 = arith.constant 4 : i32
      %add3A_1447 = arith.addi %mul3A_720, %add3A_1446 : i32
      %add3A_1448 = arith.constant 5 : i32
      %add3A_1449 = arith.addi %add3A_1447, %add3A_1448 : i32
      %dma_start3A_1450 = arith.constant 4 : i32
      %dma_start3A_1451 = arith.constant 0 : i32
      %dma_start3A_1452 = arith.constant 0 : i32
      %dma_start3A_1453 = tpu.memref_slice %arg6[%dma_start3A_1450, %dma_start3A_1451, %dma_start3A_1452] : memref<5x128x32xf32, #tpu.memory_space<vmem>> -> memref<1x128x32xf32, #tpu.memory_space<vmem>>
      %dma_start3A_1454 = tpu.memref_squeeze %dma_start3A_1453 : memref<1x128x32xf32, #tpu.memory_space<vmem>> -> memref<128x32xf32, #tpu.memory_space<vmem>>
      %dma_start3A_1455 = arith.constant 0 : i32
      %dma_start3A_1456 = tpu.memref_slice %arg5[%add3A_1449, %dma_start3A_1455] : memref<50x128xi32, #tpu.memory_space<vmem>> -> memref<1x128xi32, #tpu.memory_space<vmem>>
      %dma_start3A_1457 = tpu.memref_squeeze %dma_start3A_1456 : memref<1x128xi32, #tpu.memory_space<vmem>> -> memref<128xi32, #tpu.memory_space<vmem>>
      %dma_start3A_1458 = arith.constant 0 : i32
      %dma_start3A_1459 = arith.constant 0 : i32
      %dma_start3A_1460 = tpu.memref_slice %arg3[%dma_start3A_1458, %dma_start3A_1459] : memref<1000000x32xf32, #tpu.memory_space<hbm>> -> memref<1000000x32xf32, #tpu.memory_space<hbm>>
      tpu.enqueue_indirect_dma source(%dma_start3A_1460 : memref<1000000x32xf32, #tpu.memory_space<hbm>>) target(%dma_start3A_1454 : memref<128x32xf32, #tpu.memory_space<vmem>>) offsets(%dma_start3A_1457 : memref<128xi32, #tpu.memory_space<vmem>>) semaphore(%arg12 : memref<!tpu.dma_semaphore, #tpu.memory_space<semaphore_mem>>)
    }
    %scan3A_78 = arith.constant 9 : i32
    %dma_wait3A = arith.constant 45 : i32
    %dma_wait3A_79 = arith.constant 0 : i32
    %dma_wait3A_80 = arith.constant 0 : i32
    %dma_wait3A_81 = arith.constant 0 : i32
    %dma_wait3A_82 = tpu.memref_slice %arg6[%dma_wait3A_79, %dma_wait3A_80, %dma_wait3A_81] : memref<5x128x32xf32, #tpu.memory_space<vmem>> -> memref<1x128x32xf32, #tpu.memory_space<vmem>>
    %dma_wait3A_83 = tpu.memref_squeeze %dma_wait3A_82 : memref<1x128x32xf32, #tpu.memory_space<vmem>> -> memref<128x32xf32, #tpu.memory_space<vmem>>
    %dma_wait3A_84 = arith.constant 0 : i32
    %dma_wait3A_85 = tpu.memref_slice %arg5[%dma_wait3A, %dma_wait3A_84] : memref<50x128xi32, #tpu.memory_space<vmem>> -> memref<1x128xi32, #tpu.memory_space<vmem>>
    %dma_wait3A_86 = tpu.memref_squeeze %dma_wait3A_85 : memref<1x128xi32, #tpu.memory_space<vmem>> -> memref<128xi32, #tpu.memory_space<vmem>>
    %dma_wait3A_87 = arith.constant 0 : i32
    %dma_wait3A_88 = arith.constant 0 : i32
    %dma_wait3A_89 = tpu.memref_slice %arg3[%dma_wait3A_87, %dma_wait3A_88] : memref<1000000x32xf32, #tpu.memory_space<hbm>> -> memref<1000000x32xf32, #tpu.memory_space<hbm>>
    tpu.wait_indirect_dma semaphore(%arg8 : memref<!tpu.dma_semaphore, #tpu.memory_space<semaphore_mem>>) src(%dma_wait3A_89 : memref<1000000x32xf32, #tpu.memory_space<hbm>>) dst(%dma_wait3A_83 : memref<128x32xf32, #tpu.memory_space<vmem>>)
    %add3A_90 = arith.constant 45 : i32
    %add3A_91 = arith.addi %mul3A_2, %add3A_90 : i32
    %jit3A = arith.constant 32 : i32
    %div3A = arith.divsi %add3A_91, %jit3A : i32
    %sign3A = arith.constant 0 : i32
    %sign3A_92 = arith.cmpi sgt, %add3A_91, %sign3A : i32
    %sign3A_93 = arith.extui %sign3A_92 : i1 to i32
    %sign3A_94 = arith.constant 0 : i32
    %sign3A_95 = arith.cmpi slt, %add3A_91, %sign3A_94 : i32
    %sign3A_96 = arith.extui %sign3A_95 : i1 to i32
    %sign3A_97 = arith.subi %sign3A_93, %sign3A_96 : i32
    %sign3A_98 = arith.constant 0 : i32
    %sign3A_99 = arith.cmpi sgt, %jit3A, %sign3A_98 : i32
    %sign3A_100 = arith.extui %sign3A_99 : i1 to i32
    %sign3A_101 = arith.constant 0 : i32
    %sign3A_102 = arith.cmpi slt, %jit3A, %sign3A_101 : i32
    %sign3A_103 = arith.extui %sign3A_102 : i1 to i32
    %sign3A_104 = arith.subi %sign3A_100, %sign3A_103 : i32
    %ne3A = arith.cmpi ne, %sign3A_97, %sign3A_104 : i32
    %rem3A = arith.remsi %add3A_91, %jit3A : i32
    %ne3A_105 = arith.constant 0 : i32
    %ne3A_106 = arith.cmpi ne, %rem3A, %ne3A_105 : i32
    %and3A = arith.andi %ne3A, %ne3A_106 : i1
    %sub3A = arith.constant 1 : i32
    %sub3A_107 = arith.subi %div3A, %sub3A : i32
    %select_n3A = arith.select %and3A, %sub3A_107, %div3A : i32
    %jit3A_108 = arith.constant 32 : i32
    %eq3A = arith.constant 0 : i32
    %eq3A_109 = arith.cmpi eq, %jit3A_108, %eq3A : i32
    %jit3A_110 = arith.constant 1 : i32
    %select_n3A_111 = arith.select %eq3A_109, %jit3A_110, %jit3A_108 : i32
    %rem3A_112 = arith.remsi %add3A_91, %select_n3A_111 : i32
    %ne3A_113 = arith.constant 0 : i32
    %ne3A_114 = arith.cmpi ne, %rem3A_112, %ne3A_113 : i32
    %lt3A = arith.constant 0 : i32
    %lt3A_115 = arith.cmpi slt, %rem3A_112, %lt3A : i32
    %lt3A_116 = arith.constant 0 : i32
    %lt3A_117 = arith.cmpi slt, %select_n3A_111, %lt3A_116 : i32
    %ne3A_118 = arith.xori %lt3A_115, %lt3A_117 : i1
    %and3A_119 = arith.andi %ne3A_118, %ne3A_114 : i1
    %add3A_120 = arith.addi %rem3A_112, %select_n3A_111 : i32
    %select_n3A_121 = arith.select %and3A_119, %add3A_120, %rem3A_112 : i32
    %mul3A_122 = arith.constant 128 : i32
    %mul3A_123 = arith.muli %select_n3A_121, %mul3A_122 : i32
    %dma_start3A_124 = arith.constant 0 : i32
    %dma_start3A_125 = arith.constant 0 : i32
    %dma_start3A_126 = arith.constant 0 : i32
    %dma_start3A_127 = tpu.memref_slice %arg6[%dma_start3A_124, %dma_start3A_125, %dma_start3A_126] : memref<5x128x32xf32, #tpu.memory_space<vmem>> -> memref<1x128x32xf32, #tpu.memory_space<vmem>>
    %dma_start3A_128 = tpu.memref_squeeze %dma_start3A_127 : memref<1x128x32xf32, #tpu.memory_space<vmem>> -> memref<128x32xf32, #tpu.memory_space<vmem>>
    %dma_start3A_129 = arith.constant 0 : i32
    %dma_start3A_130 = tpu.memref_slice %arg4[%select_n3A, %mul3A_123, %dma_start3A_129] : memref<50x4096x32xf32, #tpu.memory_space<hbm>> -> memref<1x128x32xf32, #tpu.memory_space<hbm>>
    %dma_start3A_131 = tpu.memref_squeeze %dma_start3A_130 : memref<1x128x32xf32, #tpu.memory_space<hbm>> -> memref<128x32xf32, #tpu.memory_space<hbm>>
    %dma_start3A_132 = arith.constant 0 : i32
    %dma_start3A_133 = tpu.memref_slice %arg4[%select_n3A, %mul3A_123, %dma_start3A_132] : memref<50x4096x32xf32, #tpu.memory_space<hbm>> -> memref<1x128x32xf32, #tpu.memory_space<hbm>>
    %dma_start3A_134 = tpu.memref_squeeze %dma_start3A_133 : memref<1x128x32xf32, #tpu.memory_space<hbm>> -> memref<128x32xf32, #tpu.memory_space<hbm>>
    %dma_start3A_135 = arith.constant 0 : i32
    %dma_start3A_136 = arith.constant 0 : i32
    %dma_start3A_137 = tpu.memref_slice %arg6[%dma_start3A_124, %dma_start3A_135, %dma_start3A_136] : memref<5x128x32xf32, #tpu.memory_space<vmem>> -> memref<1x128x32xf32, #tpu.memory_space<vmem>>
    %dma_start3A_138 = tpu.memref_squeeze %dma_start3A_137 : memref<1x128x32xf32, #tpu.memory_space<vmem>> -> memref<128x32xf32, #tpu.memory_space<vmem>>
    tpu.enqueue_dma source(%dma_start3A_138 : memref<128x32xf32, #tpu.memory_space<vmem>>) target(%dma_start3A_134 : memref<128x32xf32, #tpu.memory_space<hbm>>) target_semaphore(%arg13 : memref<!tpu.dma_semaphore, #tpu.memory_space<semaphore_mem>>)
    %dma_wait3A_139 = arith.constant 46 : i32
    %dma_wait3A_140 = arith.constant 1 : i32
    %dma_wait3A_141 = arith.constant 0 : i32
    %dma_wait3A_142 = arith.constant 0 : i32
    %dma_wait3A_143 = tpu.memref_slice %arg6[%dma_wait3A_140, %dma_wait3A_141, %dma_wait3A_142] : memref<5x128x32xf32, #tpu.memory_space<vmem>> -> memref<1x128x32xf32, #tpu.memory_space<vmem>>
    %dma_wait3A_144 = tpu.memref_squeeze %dma_wait3A_143 : memref<1x128x32xf32, #tpu.memory_space<vmem>> -> memref<128x32xf32, #tpu.memory_space<vmem>>
    %dma_wait3A_145 = arith.constant 0 : i32
    %dma_wait3A_146 = tpu.memref_slice %arg5[%dma_wait3A_139, %dma_wait3A_145] : memref<50x128xi32, #tpu.memory_space<vmem>> -> memref<1x128xi32, #tpu.memory_space<vmem>>
    %dma_wait3A_147 = tpu.memref_squeeze %dma_wait3A_146 : memref<1x128xi32, #tpu.memory_space<vmem>> -> memref<128xi32, #tpu.memory_space<vmem>>
    %dma_wait3A_148 = arith.constant 0 : i32
    %dma_wait3A_149 = arith.constant 0 : i32
    %dma_wait3A_150 = tpu.memref_slice %arg3[%dma_wait3A_148, %dma_wait3A_149] : memref<1000000x32xf32, #tpu.memory_space<hbm>> -> memref<1000000x32xf32, #tpu.memory_space<hbm>>
    tpu.wait_indirect_dma semaphore(%arg9 : memref<!tpu.dma_semaphore, #tpu.memory_space<semaphore_mem>>) src(%dma_wait3A_150 : memref<1000000x32xf32, #tpu.memory_space<hbm>>) dst(%dma_wait3A_144 : memref<128x32xf32, #tpu.memory_space<vmem>>)
    %add3A_151 = arith.constant 46 : i32
    %add3A_152 = arith.addi %mul3A_2, %add3A_151 : i32
    %jit3A_153 = arith.constant 32 : i32
    %div3A_154 = arith.divsi %add3A_152, %jit3A_153 : i32
    %sign3A_155 = arith.constant 0 : i32
    %sign3A_156 = arith.cmpi sgt, %add3A_152, %sign3A_155 : i32
    %sign3A_157 = arith.extui %sign3A_156 : i1 to i32
    %sign3A_158 = arith.constant 0 : i32
    %sign3A_159 = arith.cmpi slt, %add3A_152, %sign3A_158 : i32
    %sign3A_160 = arith.extui %sign3A_159 : i1 to i32
    %sign3A_161 = arith.subi %sign3A_157, %sign3A_160 : i32
    %sign3A_162 = arith.constant 0 : i32
    %sign3A_163 = arith.cmpi sgt, %jit3A_153, %sign3A_162 : i32
    %sign3A_164 = arith.extui %sign3A_163 : i1 to i32
    %sign3A_165 = arith.constant 0 : i32
    %sign3A_166 = arith.cmpi slt, %jit3A_153, %sign3A_165 : i32
    %sign3A_167 = arith.extui %sign3A_166 : i1 to i32
    %sign3A_168 = arith.subi %sign3A_164, %sign3A_167 : i32
    %ne3A_169 = arith.cmpi ne, %sign3A_161, %sign3A_168 : i32
    %rem3A_170 = arith.remsi %add3A_152, %jit3A_153 : i32
    %ne3A_171 = arith.constant 0 : i32
    %ne3A_172 = arith.cmpi ne, %rem3A_170, %ne3A_171 : i32
    %and3A_173 = arith.andi %ne3A_169, %ne3A_172 : i1
    %sub3A_174 = arith.constant 1 : i32
    %sub3A_175 = arith.subi %div3A_154, %sub3A_174 : i32
    %select_n3A_176 = arith.select %and3A_173, %sub3A_175, %div3A_154 : i32
    %jit3A_177 = arith.constant 32 : i32
    %eq3A_178 = arith.constant 0 : i32
    %eq3A_179 = arith.cmpi eq, %jit3A_177, %eq3A_178 : i32
    %jit3A_180 = arith.constant 1 : i32
    %select_n3A_181 = arith.select %eq3A_179, %jit3A_180, %jit3A_177 : i32
    %rem3A_182 = arith.remsi %add3A_152, %select_n3A_181 : i32
    %ne3A_183 = arith.constant 0 : i32
    %ne3A_184 = arith.cmpi ne, %rem3A_182, %ne3A_183 : i32
    %lt3A_185 = arith.constant 0 : i32
    %lt3A_186 = arith.cmpi slt, %rem3A_182, %lt3A_185 : i32
    %lt3A_187 = arith.constant 0 : i32
    %lt3A_188 = arith.cmpi slt, %select_n3A_181, %lt3A_187 : i32
    %ne3A_189 = arith.xori %lt3A_186, %lt3A_188 : i1
    %and3A_190 = arith.andi %ne3A_189, %ne3A_184 : i1
    %add3A_191 = arith.addi %rem3A_182, %select_n3A_181 : i32
    %select_n3A_192 = arith.select %and3A_190, %add3A_191, %rem3A_182 : i32
    %mul3A_193 = arith.constant 128 : i32
    %mul3A_194 = arith.muli %select_n3A_192, %mul3A_193 : i32
    %dma_start3A_195 = arith.constant 1 : i32
    %dma_start3A_196 = arith.constant 0 : i32
    %dma_start3A_197 = arith.constant 0 : i32
    %dma_start3A_198 = tpu.memref_slice %arg6[%dma_start3A_195, %dma_start3A_196, %dma_start3A_197] : memref<5x128x32xf32, #tpu.memory_space<vmem>> -> memref<1x128x32xf32, #tpu.memory_space<vmem>>
    %dma_start3A_199 = tpu.memref_squeeze %dma_start3A_198 : memref<1x128x32xf32, #tpu.memory_space<vmem>> -> memref<128x32xf32, #tpu.memory_space<vmem>>
    %dma_start3A_200 = arith.constant 0 : i32
    %dma_start3A_201 = tpu.memref_slice %arg4[%select_n3A_176, %mul3A_194, %dma_start3A_200] : memref<50x4096x32xf32, #tpu.memory_space<hbm>> -> memref<1x128x32xf32, #tpu.memory_space<hbm>>
    %dma_start3A_202 = tpu.memref_squeeze %dma_start3A_201 : memref<1x128x32xf32, #tpu.memory_space<hbm>> -> memref<128x32xf32, #tpu.memory_space<hbm>>
    %dma_start3A_203 = arith.constant 0 : i32
    %dma_start3A_204 = tpu.memref_slice %arg4[%select_n3A_176, %mul3A_194, %dma_start3A_203] : memref<50x4096x32xf32, #tpu.memory_space<hbm>> -> memref<1x128x32xf32, #tpu.memory_space<hbm>>
    %dma_start3A_205 = tpu.memref_squeeze %dma_start3A_204 : memref<1x128x32xf32, #tpu.memory_space<hbm>> -> memref<128x32xf32, #tpu.memory_space<hbm>>
    %dma_start3A_206 = arith.constant 0 : i32
    %dma_start3A_207 = arith.constant 0 : i32
    %dma_start3A_208 = tpu.memref_slice %arg6[%dma_start3A_195, %dma_start3A_206, %dma_start3A_207] : memref<5x128x32xf32, #tpu.memory_space<vmem>> -> memref<1x128x32xf32, #tpu.memory_space<vmem>>
    %dma_start3A_209 = tpu.memref_squeeze %dma_start3A_208 : memref<1x128x32xf32, #tpu.memory_space<vmem>> -> memref<128x32xf32, #tpu.memory_space<vmem>>
    tpu.enqueue_dma source(%dma_start3A_209 : memref<128x32xf32, #tpu.memory_space<vmem>>) target(%dma_start3A_205 : memref<128x32xf32, #tpu.memory_space<hbm>>) target_semaphore(%arg14 : memref<!tpu.dma_semaphore, #tpu.memory_space<semaphore_mem>>)
    %dma_wait3A_210 = arith.constant 47 : i32
    %dma_wait3A_211 = arith.constant 2 : i32
    %dma_wait3A_212 = arith.constant 0 : i32
    %dma_wait3A_213 = arith.constant 0 : i32
    %dma_wait3A_214 = tpu.memref_slice %arg6[%dma_wait3A_211, %dma_wait3A_212, %dma_wait3A_213] : memref<5x128x32xf32, #tpu.memory_space<vmem>> -> memref<1x128x32xf32, #tpu.memory_space<vmem>>
    %dma_wait3A_215 = tpu.memref_squeeze %dma_wait3A_214 : memref<1x128x32xf32, #tpu.memory_space<vmem>> -> memref<128x32xf32, #tpu.memory_space<vmem>>
    %dma_wait3A_216 = arith.constant 0 : i32
    %dma_wait3A_217 = tpu.memref_slice %arg5[%dma_wait3A_210, %dma_wait3A_216] : memref<50x128xi32, #tpu.memory_space<vmem>> -> memref<1x128xi32, #tpu.memory_space<vmem>>
    %dma_wait3A_218 = tpu.memref_squeeze %dma_wait3A_217 : memref<1x128xi32, #tpu.memory_space<vmem>> -> memref<128xi32, #tpu.memory_space<vmem>>
    %dma_wait3A_219 = arith.constant 0 : i32
    %dma_wait3A_220 = arith.constant 0 : i32
    %dma_wait3A_221 = tpu.memref_slice %arg3[%dma_wait3A_219, %dma_wait3A_220] : memref<1000000x32xf32, #tpu.memory_space<hbm>> -> memref<1000000x32xf32, #tpu.memory_space<hbm>>
    tpu.wait_indirect_dma semaphore(%arg10 : memref<!tpu.dma_semaphore, #tpu.memory_space<semaphore_mem>>) src(%dma_wait3A_221 : memref<1000000x32xf32, #tpu.memory_space<hbm>>) dst(%dma_wait3A_215 : memref<128x32xf32, #tpu.memory_space<vmem>>)
    %add3A_222 = arith.constant 47 : i32
    %add3A_223 = arith.addi %mul3A_2, %add3A_222 : i32
    %jit3A_224 = arith.constant 32 : i32
    %div3A_225 = arith.divsi %add3A_223, %jit3A_224 : i32
    %sign3A_226 = arith.constant 0 : i32
    %sign3A_227 = arith.cmpi sgt, %add3A_223, %sign3A_226 : i32
    %sign3A_228 = arith.extui %sign3A_227 : i1 to i32
    %sign3A_229 = arith.constant 0 : i32
    %sign3A_230 = arith.cmpi slt, %add3A_223, %sign3A_229 : i32
    %sign3A_231 = arith.extui %sign3A_230 : i1 to i32
    %sign3A_232 = arith.subi %sign3A_228, %sign3A_231 : i32
    %sign3A_233 = arith.constant 0 : i32
    %sign3A_234 = arith.cmpi sgt, %jit3A_224, %sign3A_233 : i32
    %sign3A_235 = arith.extui %sign3A_234 : i1 to i32
    %sign3A_236 = arith.constant 0 : i32
    %sign3A_237 = arith.cmpi slt, %jit3A_224, %sign3A_236 : i32
    %sign3A_238 = arith.extui %sign3A_237 : i1 to i32
    %sign3A_239 = arith.subi %sign3A_235, %sign3A_238 : i32
    %ne3A_240 = arith.cmpi ne, %sign3A_232, %sign3A_239 : i32
    %rem3A_241 = arith.remsi %add3A_223, %jit3A_224 : i32
    %ne3A_242 = arith.constant 0 : i32
    %ne3A_243 = arith.cmpi ne, %rem3A_241, %ne3A_242 : i32
    %and3A_244 = arith.andi %ne3A_240, %ne3A_243 : i1
    %sub3A_245 = arith.constant 1 : i32
    %sub3A_246 = arith.subi %div3A_225, %sub3A_245 : i32
    %select_n3A_247 = arith.select %and3A_244, %sub3A_246, %div3A_225 : i32
    %jit3A_248 = arith.constant 32 : i32
    %eq3A_249 = arith.constant 0 : i32
    %eq3A_250 = arith.cmpi eq, %jit3A_248, %eq3A_249 : i32
    %jit3A_251 = arith.constant 1 : i32
    %select_n3A_252 = arith.select %eq3A_250, %jit3A_251, %jit3A_248 : i32
    %rem3A_253 = arith.remsi %add3A_223, %select_n3A_252 : i32
    %ne3A_254 = arith.constant 0 : i32
    %ne3A_255 = arith.cmpi ne, %rem3A_253, %ne3A_254 : i32
    %lt3A_256 = arith.constant 0 : i32
    %lt3A_257 = arith.cmpi slt, %rem3A_253, %lt3A_256 : i32
    %lt3A_258 = arith.constant 0 : i32
    %lt3A_259 = arith.cmpi slt, %select_n3A_252, %lt3A_258 : i32
    %ne3A_260 = arith.xori %lt3A_257, %lt3A_259 : i1
    %and3A_261 = arith.andi %ne3A_260, %ne3A_255 : i1
    %add3A_262 = arith.addi %rem3A_253, %select_n3A_252 : i32
    %select_n3A_263 = arith.select %and3A_261, %add3A_262, %rem3A_253 : i32
    %mul3A_264 = arith.constant 128 : i32
    %mul3A_265 = arith.muli %select_n3A_263, %mul3A_264 : i32
    %dma_start3A_266 = arith.constant 2 : i32
    %dma_start3A_267 = arith.constant 0 : i32
    %dma_start3A_268 = arith.constant 0 : i32
    %dma_start3A_269 = tpu.memref_slice %arg6[%dma_start3A_266, %dma_start3A_267, %dma_start3A_268] : memref<5x128x32xf32, #tpu.memory_space<vmem>> -> memref<1x128x32xf32, #tpu.memory_space<vmem>>
    %dma_start3A_270 = tpu.memref_squeeze %dma_start3A_269 : memref<1x128x32xf32, #tpu.memory_space<vmem>> -> memref<128x32xf32, #tpu.memory_space<vmem>>
    %dma_start3A_271 = arith.constant 0 : i32
    %dma_start3A_272 = tpu.memref_slice %arg4[%select_n3A_247, %mul3A_265, %dma_start3A_271] : memref<50x4096x32xf32, #tpu.memory_space<hbm>> -> memref<1x128x32xf32, #tpu.memory_space<hbm>>
    %dma_start3A_273 = tpu.memref_squeeze %dma_start3A_272 : memref<1x128x32xf32, #tpu.memory_space<hbm>> -> memref<128x32xf32, #tpu.memory_space<hbm>>
    %dma_start3A_274 = arith.constant 0 : i32
    %dma_start3A_275 = tpu.memref_slice %arg4[%select_n3A_247, %mul3A_265, %dma_start3A_274] : memref<50x4096x32xf32, #tpu.memory_space<hbm>> -> memref<1x128x32xf32, #tpu.memory_space<hbm>>
    %dma_start3A_276 = tpu.memref_squeeze %dma_start3A_275 : memref<1x128x32xf32, #tpu.memory_space<hbm>> -> memref<128x32xf32, #tpu.memory_space<hbm>>
    %dma_start3A_277 = arith.constant 0 : i32
    %dma_start3A_278 = arith.constant 0 : i32
    %dma_start3A_279 = tpu.memref_slice %arg6[%dma_start3A_266, %dma_start3A_277, %dma_start3A_278] : memref<5x128x32xf32, #tpu.memory_space<vmem>> -> memref<1x128x32xf32, #tpu.memory_space<vmem>>
    %dma_start3A_280 = tpu.memref_squeeze %dma_start3A_279 : memref<1x128x32xf32, #tpu.memory_space<vmem>> -> memref<128x32xf32, #tpu.memory_space<vmem>>
    tpu.enqueue_dma source(%dma_start3A_280 : memref<128x32xf32, #tpu.memory_space<vmem>>) target(%dma_start3A_276 : memref<128x32xf32, #tpu.memory_space<hbm>>) target_semaphore(%arg15 : memref<!tpu.dma_semaphore, #tpu.memory_space<semaphore_mem>>)
    %dma_wait3A_281 = arith.constant 48 : i32
    %dma_wait3A_282 = arith.constant 3 : i32
    %dma_wait3A_283 = arith.constant 0 : i32
    %dma_wait3A_284 = arith.constant 0 : i32
    %dma_wait3A_285 = tpu.memref_slice %arg6[%dma_wait3A_282, %dma_wait3A_283, %dma_wait3A_284] : memref<5x128x32xf32, #tpu.memory_space<vmem>> -> memref<1x128x32xf32, #tpu.memory_space<vmem>>
    %dma_wait3A_286 = tpu.memref_squeeze %dma_wait3A_285 : memref<1x128x32xf32, #tpu.memory_space<vmem>> -> memref<128x32xf32, #tpu.memory_space<vmem>>
    %dma_wait3A_287 = arith.constant 0 : i32
    %dma_wait3A_288 = tpu.memref_slice %arg5[%dma_wait3A_281, %dma_wait3A_287] : memref<50x128xi32, #tpu.memory_space<vmem>> -> memref<1x128xi32, #tpu.memory_space<vmem>>
    %dma_wait3A_289 = tpu.memref_squeeze %dma_wait3A_288 : memref<1x128xi32, #tpu.memory_space<vmem>> -> memref<128xi32, #tpu.memory_space<vmem>>
    %dma_wait3A_290 = arith.constant 0 : i32
    %dma_wait3A_291 = arith.constant 0 : i32
    %dma_wait3A_292 = tpu.memref_slice %arg3[%dma_wait3A_290, %dma_wait3A_291] : memref<1000000x32xf32, #tpu.memory_space<hbm>> -> memref<1000000x32xf32, #tpu.memory_space<hbm>>
    tpu.wait_indirect_dma semaphore(%arg11 : memref<!tpu.dma_semaphore, #tpu.memory_space<semaphore_mem>>) src(%dma_wait3A_292 : memref<1000000x32xf32, #tpu.memory_space<hbm>>) dst(%dma_wait3A_286 : memref<128x32xf32, #tpu.memory_space<vmem>>)
    %add3A_293 = arith.constant 48 : i32
    %add3A_294 = arith.addi %mul3A_2, %add3A_293 : i32
    %jit3A_295 = arith.constant 32 : i32
    %div3A_296 = arith.divsi %add3A_294, %jit3A_295 : i32
    %sign3A_297 = arith.constant 0 : i32
    %sign3A_298 = arith.cmpi sgt, %add3A_294, %sign3A_297 : i32
    %sign3A_299 = arith.extui %sign3A_298 : i1 to i32
    %sign3A_300 = arith.constant 0 : i32
    %sign3A_301 = arith.cmpi slt, %add3A_294, %sign3A_300 : i32
    %sign3A_302 = arith.extui %sign3A_301 : i1 to i32
    %sign3A_303 = arith.subi %sign3A_299, %sign3A_302 : i32
    %sign3A_304 = arith.constant 0 : i32
    %sign3A_305 = arith.cmpi sgt, %jit3A_295, %sign3A_304 : i32
    %sign3A_306 = arith.extui %sign3A_305 : i1 to i32
    %sign3A_307 = arith.constant 0 : i32
    %sign3A_308 = arith.cmpi slt, %jit3A_295, %sign3A_307 : i32
    %sign3A_309 = arith.extui %sign3A_308 : i1 to i32
    %sign3A_310 = arith.subi %sign3A_306, %sign3A_309 : i32
    %ne3A_311 = arith.cmpi ne, %sign3A_303, %sign3A_310 : i32
    %rem3A_312 = arith.remsi %add3A_294, %jit3A_295 : i32
    %ne3A_313 = arith.constant 0 : i32
    %ne3A_314 = arith.cmpi ne, %rem3A_312, %ne3A_313 : i32
    %and3A_315 = arith.andi %ne3A_311, %ne3A_314 : i1
    %sub3A_316 = arith.constant 1 : i32
    %sub3A_317 = arith.subi %div3A_296, %sub3A_316 : i32
    %select_n3A_318 = arith.select %and3A_315, %sub3A_317, %div3A_296 : i32
    %jit3A_319 = arith.constant 32 : i32
    %eq3A_320 = arith.constant 0 : i32
    %eq3A_321 = arith.cmpi eq, %jit3A_319, %eq3A_320 : i32
    %jit3A_322 = arith.constant 1 : i32
    %select_n3A_323 = arith.select %eq3A_321, %jit3A_322, %jit3A_319 : i32
    %rem3A_324 = arith.remsi %add3A_294, %select_n3A_323 : i32
    %ne3A_325 = arith.constant 0 : i32
    %ne3A_326 = arith.cmpi ne, %rem3A_324, %ne3A_325 : i32
    %lt3A_327 = arith.constant 0 : i32
    %lt3A_328 = arith.cmpi slt, %rem3A_324, %lt3A_327 : i32
    %lt3A_329 = arith.constant 0 : i32
    %lt3A_330 = arith.cmpi slt, %select_n3A_323, %lt3A_329 : i32
    %ne3A_331 = arith.xori %lt3A_328, %lt3A_330 : i1
    %and3A_332 = arith.andi %ne3A_331, %ne3A_326 : i1
    %add3A_333 = arith.addi %rem3A_324, %select_n3A_323 : i32
    %select_n3A_334 = arith.select %and3A_332, %add3A_333, %rem3A_324 : i32
    %mul3A_335 = arith.constant 128 : i32
    %mul3A_336 = arith.muli %select_n3A_334, %mul3A_335 : i32
    %dma_start3A_337 = arith.constant 3 : i32
    %dma_start3A_338 = arith.constant 0 : i32
    %dma_start3A_339 = arith.constant 0 : i32
    %dma_start3A_340 = tpu.memref_slice %arg6[%dma_start3A_337, %dma_start3A_338, %dma_start3A_339] : memref<5x128x32xf32, #tpu.memory_space<vmem>> -> memref<1x128x32xf32, #tpu.memory_space<vmem>>
    %dma_start3A_341 = tpu.memref_squeeze %dma_start3A_340 : memref<1x128x32xf32, #tpu.memory_space<vmem>> -> memref<128x32xf32, #tpu.memory_space<vmem>>
    %dma_start3A_342 = arith.constant 0 : i32
    %dma_start3A_343 = tpu.memref_slice %arg4[%select_n3A_318, %mul3A_336, %dma_start3A_342] : memref<50x4096x32xf32, #tpu.memory_space<hbm>> -> memref<1x128x32xf32, #tpu.memory_space<hbm>>
    %dma_start3A_344 = tpu.memref_squeeze %dma_start3A_343 : memref<1x128x32xf32, #tpu.memory_space<hbm>> -> memref<128x32xf32, #tpu.memory_space<hbm>>
    %dma_start3A_345 = arith.constant 0 : i32
    %dma_start3A_346 = tpu.memref_slice %arg4[%select_n3A_318, %mul3A_336, %dma_start3A_345] : memref<50x4096x32xf32, #tpu.memory_space<hbm>> -> memref<1x128x32xf32, #tpu.memory_space<hbm>>
    %dma_start3A_347 = tpu.memref_squeeze %dma_start3A_346 : memref<1x128x32xf32, #tpu.memory_space<hbm>> -> memref<128x32xf32, #tpu.memory_space<hbm>>
    %dma_start3A_348 = arith.constant 0 : i32
    %dma_start3A_349 = arith.constant 0 : i32
    %dma_start3A_350 = tpu.memref_slice %arg6[%dma_start3A_337, %dma_start3A_348, %dma_start3A_349] : memref<5x128x32xf32, #tpu.memory_space<vmem>> -> memref<1x128x32xf32, #tpu.memory_space<vmem>>
    %dma_start3A_351 = tpu.memref_squeeze %dma_start3A_350 : memref<1x128x32xf32, #tpu.memory_space<vmem>> -> memref<128x32xf32, #tpu.memory_space<vmem>>
    tpu.enqueue_dma source(%dma_start3A_351 : memref<128x32xf32, #tpu.memory_space<vmem>>) target(%dma_start3A_347 : memref<128x32xf32, #tpu.memory_space<hbm>>) target_semaphore(%arg16 : memref<!tpu.dma_semaphore, #tpu.memory_space<semaphore_mem>>)
    %dma_wait3A_352 = arith.constant 49 : i32
    %dma_wait3A_353 = arith.constant 4 : i32
    %dma_wait3A_354 = arith.constant 0 : i32
    %dma_wait3A_355 = arith.constant 0 : i32
    %dma_wait3A_356 = tpu.memref_slice %arg6[%dma_wait3A_353, %dma_wait3A_354, %dma_wait3A_355] : memref<5x128x32xf32, #tpu.memory_space<vmem>> -> memref<1x128x32xf32, #tpu.memory_space<vmem>>
    %dma_wait3A_357 = tpu.memref_squeeze %dma_wait3A_356 : memref<1x128x32xf32, #tpu.memory_space<vmem>> -> memref<128x32xf32, #tpu.memory_space<vmem>>
    %dma_wait3A_358 = arith.constant 0 : i32
    %dma_wait3A_359 = tpu.memref_slice %arg5[%dma_wait3A_352, %dma_wait3A_358] : memref<50x128xi32, #tpu.memory_space<vmem>> -> memref<1x128xi32, #tpu.memory_space<vmem>>
    %dma_wait3A_360 = tpu.memref_squeeze %dma_wait3A_359 : memref<1x128xi32, #tpu.memory_space<vmem>> -> memref<128xi32, #tpu.memory_space<vmem>>
    %dma_wait3A_361 = arith.constant 0 : i32
    %dma_wait3A_362 = arith.constant 0 : i32
    %dma_wait3A_363 = tpu.memref_slice %arg3[%dma_wait3A_361, %dma_wait3A_362] : memref<1000000x32xf32, #tpu.memory_space<hbm>> -> memref<1000000x32xf32, #tpu.memory_space<hbm>>
    tpu.wait_indirect_dma semaphore(%arg12 : memref<!tpu.dma_semaphore, #tpu.memory_space<semaphore_mem>>) src(%dma_wait3A_363 : memref<1000000x32xf32, #tpu.memory_space<hbm>>) dst(%dma_wait3A_357 : memref<128x32xf32, #tpu.memory_space<vmem>>)
    %add3A_364 = arith.constant 49 : i32
    %add3A_365 = arith.addi %mul3A_2, %add3A_364 : i32
    %jit3A_366 = arith.constant 32 : i32
    %div3A_367 = arith.divsi %add3A_365, %jit3A_366 : i32
    %sign3A_368 = arith.constant 0 : i32
    %sign3A_369 = arith.cmpi sgt, %add3A_365, %sign3A_368 : i32
    %sign3A_370 = arith.extui %sign3A_369 : i1 to i32
    %sign3A_371 = arith.constant 0 : i32
    %sign3A_372 = arith.cmpi slt, %add3A_365, %sign3A_371 : i32
    %sign3A_373 = arith.extui %sign3A_372 : i1 to i32
    %sign3A_374 = arith.subi %sign3A_370, %sign3A_373 : i32
    %sign3A_375 = arith.constant 0 : i32
    %sign3A_376 = arith.cmpi sgt, %jit3A_366, %sign3A_375 : i32
    %sign3A_377 = arith.extui %sign3A_376 : i1 to i32
    %sign3A_378 = arith.constant 0 : i32
    %sign3A_379 = arith.cmpi slt, %jit3A_366, %sign3A_378 : i32
    %sign3A_380 = arith.extui %sign3A_379 : i1 to i32
    %sign3A_381 = arith.subi %sign3A_377, %sign3A_380 : i32
    %ne3A_382 = arith.cmpi ne, %sign3A_374, %sign3A_381 : i32
    %rem3A_383 = arith.remsi %add3A_365, %jit3A_366 : i32
    %ne3A_384 = arith.constant 0 : i32
    %ne3A_385 = arith.cmpi ne, %rem3A_383, %ne3A_384 : i32
    %and3A_386 = arith.andi %ne3A_382, %ne3A_385 : i1
    %sub3A_387 = arith.constant 1 : i32
    %sub3A_388 = arith.subi %div3A_367, %sub3A_387 : i32
    %select_n3A_389 = arith.select %and3A_386, %sub3A_388, %div3A_367 : i32
    %jit3A_390 = arith.constant 32 : i32
    %eq3A_391 = arith.constant 0 : i32
    %eq3A_392 = arith.cmpi eq, %jit3A_390, %eq3A_391 : i32
    %jit3A_393 = arith.constant 1 : i32
    %select_n3A_394 = arith.select %eq3A_392, %jit3A_393, %jit3A_390 : i32
    %rem3A_395 = arith.remsi %add3A_365, %select_n3A_394 : i32
    %ne3A_396 = arith.constant 0 : i32
    %ne3A_397 = arith.cmpi ne, %rem3A_395, %ne3A_396 : i32
    %lt3A_398 = arith.constant 0 : i32
    %lt3A_399 = arith.cmpi slt, %rem3A_395, %lt3A_398 : i32
    %lt3A_400 = arith.constant 0 : i32
    %lt3A_401 = arith.cmpi slt, %select_n3A_394, %lt3A_400 : i32
    %ne3A_402 = arith.xori %lt3A_399, %lt3A_401 : i1
    %and3A_403 = arith.andi %ne3A_402, %ne3A_397 : i1
    %add3A_404 = arith.addi %rem3A_395, %select_n3A_394 : i32
    %select_n3A_405 = arith.select %and3A_403, %add3A_404, %rem3A_395 : i32
    %mul3A_406 = arith.constant 128 : i32
    %mul3A_407 = arith.muli %select_n3A_405, %mul3A_406 : i32
    %dma_start3A_408 = arith.constant 4 : i32
    %dma_start3A_409 = arith.constant 0 : i32
    %dma_start3A_410 = arith.constant 0 : i32
    %dma_start3A_411 = tpu.memref_slice %arg6[%dma_start3A_408, %dma_start3A_409, %dma_start3A_410] : memref<5x128x32xf32, #tpu.memory_space<vmem>> -> memref<1x128x32xf32, #tpu.memory_space<vmem>>
    %dma_start3A_412 = tpu.memref_squeeze %dma_start3A_411 : memref<1x128x32xf32, #tpu.memory_space<vmem>> -> memref<128x32xf32, #tpu.memory_space<vmem>>
    %dma_start3A_413 = arith.constant 0 : i32
    %dma_start3A_414 = tpu.memref_slice %arg4[%select_n3A_389, %mul3A_407, %dma_start3A_413] : memref<50x4096x32xf32, #tpu.memory_space<hbm>> -> memref<1x128x32xf32, #tpu.memory_space<hbm>>
    %dma_start3A_415 = tpu.memref_squeeze %dma_start3A_414 : memref<1x128x32xf32, #tpu.memory_space<hbm>> -> memref<128x32xf32, #tpu.memory_space<hbm>>
    %dma_start3A_416 = arith.constant 0 : i32
    %dma_start3A_417 = tpu.memref_slice %arg4[%select_n3A_389, %mul3A_407, %dma_start3A_416] : memref<50x4096x32xf32, #tpu.memory_space<hbm>> -> memref<1x128x32xf32, #tpu.memory_space<hbm>>
    %dma_start3A_418 = tpu.memref_squeeze %dma_start3A_417 : memref<1x128x32xf32, #tpu.memory_space<hbm>> -> memref<128x32xf32, #tpu.memory_space<hbm>>
    %dma_start3A_419 = arith.constant 0 : i32
    %dma_start3A_420 = arith.constant 0 : i32
    %dma_start3A_421 = tpu.memref_slice %arg6[%dma_start3A_408, %dma_start3A_419, %dma_start3A_420] : memref<5x128x32xf32, #tpu.memory_space<vmem>> -> memref<1x128x32xf32, #tpu.memory_space<vmem>>
    %dma_start3A_422 = tpu.memref_squeeze %dma_start3A_421 : memref<1x128x32xf32, #tpu.memory_space<vmem>> -> memref<128x32xf32, #tpu.memory_space<vmem>>
    tpu.enqueue_dma source(%dma_start3A_422 : memref<128x32xf32, #tpu.memory_space<vmem>>) target(%dma_start3A_418 : memref<128x32xf32, #tpu.memory_space<hbm>>) target_semaphore(%arg17 : memref<!tpu.dma_semaphore, #tpu.memory_space<semaphore_mem>>)
    %add3A_423 = arith.constant 45 : i32
    %add3A_424 = arith.addi %mul3A_2, %add3A_423 : i32
    %jit3A_425 = arith.constant 32 : i32
    %div3A_426 = arith.divsi %add3A_424, %jit3A_425 : i32
    %sign3A_427 = arith.constant 0 : i32
    %sign3A_428 = arith.cmpi sgt, %add3A_424, %sign3A_427 : i32
    %sign3A_429 = arith.extui %sign3A_428 : i1 to i32
    %sign3A_430 = arith.constant 0 : i32
    %sign3A_431 = arith.cmpi slt, %add3A_424, %sign3A_430 : i32
    %sign3A_432 = arith.extui %sign3A_431 : i1 to i32
    %sign3A_433 = arith.subi %sign3A_429, %sign3A_432 : i32
    %sign3A_434 = arith.constant 0 : i32
    %sign3A_435 = arith.cmpi sgt, %jit3A_425, %sign3A_434 : i32
    %sign3A_436 = arith.extui %sign3A_435 : i1 to i32
    %sign3A_437 = arith.constant 0 : i32
    %sign3A_438 = arith.cmpi slt, %jit3A_425, %sign3A_437 : i32
    %sign3A_439 = arith.extui %sign3A_438 : i1 to i32
    %sign3A_440 = arith.subi %sign3A_436, %sign3A_439 : i32
    %ne3A_441 = arith.cmpi ne, %sign3A_433, %sign3A_440 : i32
    %rem3A_442 = arith.remsi %add3A_424, %jit3A_425 : i32
    %ne3A_443 = arith.constant 0 : i32
    %ne3A_444 = arith.cmpi ne, %rem3A_442, %ne3A_443 : i32
    %and3A_445 = arith.andi %ne3A_441, %ne3A_444 : i1
    %sub3A_446 = arith.constant 1 : i32
    %sub3A_447 = arith.subi %div3A_426, %sub3A_446 : i32
    %select_n3A_448 = arith.select %and3A_445, %sub3A_447, %div3A_426 : i32
    %jit3A_449 = arith.constant 32 : i32
    %eq3A_450 = arith.constant 0 : i32
    %eq3A_451 = arith.cmpi eq, %jit3A_449, %eq3A_450 : i32
    %jit3A_452 = arith.constant 1 : i32
    %select_n3A_453 = arith.select %eq3A_451, %jit3A_452, %jit3A_449 : i32
    %rem3A_454 = arith.remsi %add3A_424, %select_n3A_453 : i32
    %ne3A_455 = arith.constant 0 : i32
    %ne3A_456 = arith.cmpi ne, %rem3A_454, %ne3A_455 : i32
    %lt3A_457 = arith.constant 0 : i32
    %lt3A_458 = arith.cmpi slt, %rem3A_454, %lt3A_457 : i32
    %lt3A_459 = arith.constant 0 : i32
    %lt3A_460 = arith.cmpi slt, %select_n3A_453, %lt3A_459 : i32
    %ne3A_461 = arith.xori %lt3A_458, %lt3A_460 : i1
    %and3A_462 = arith.andi %ne3A_461, %ne3A_456 : i1
    %add3A_463 = arith.addi %rem3A_454, %select_n3A_453 : i32
    %select_n3A_464 = arith.select %and3A_462, %add3A_463, %rem3A_454 : i32
    %mul3A_465 = arith.constant 128 : i32
    %mul3A_466 = arith.muli %select_n3A_464, %mul3A_465 : i32
    %dma_wait3A_467 = arith.constant 0 : i32
    %dma_wait3A_468 = arith.constant 0 : i32
    %dma_wait3A_469 = arith.constant 0 : i32
    %dma_wait3A_470 = tpu.memref_slice %arg6[%dma_wait3A_467, %dma_wait3A_468, %dma_wait3A_469] : memref<5x128x32xf32, #tpu.memory_space<vmem>> -> memref<1x128x32xf32, #tpu.memory_space<vmem>>
    %dma_wait3A_471 = tpu.memref_squeeze %dma_wait3A_470 : memref<1x128x32xf32, #tpu.memory_space<vmem>> -> memref<128x32xf32, #tpu.memory_space<vmem>>
    %dma_wait3A_472 = arith.constant 0 : i32
    %dma_wait3A_473 = tpu.memref_slice %arg4[%select_n3A_448, %mul3A_466, %dma_wait3A_472] : memref<50x4096x32xf32, #tpu.memory_space<hbm>> -> memref<1x128x32xf32, #tpu.memory_space<hbm>>
    %dma_wait3A_474 = tpu.memref_squeeze %dma_wait3A_473 : memref<1x128x32xf32, #tpu.memory_space<hbm>> -> memref<128x32xf32, #tpu.memory_space<hbm>>
    %dma_wait3A_475 = arith.constant 0 : i32
    %dma_wait3A_476 = tpu.memref_slice %arg4[%select_n3A_448, %mul3A_466, %dma_wait3A_475] : memref<50x4096x32xf32, #tpu.memory_space<hbm>> -> memref<1x128x32xf32, #tpu.memory_space<hbm>>
    %dma_wait3A_477 = tpu.memref_squeeze %dma_wait3A_476 : memref<1x128x32xf32, #tpu.memory_space<hbm>> -> memref<128x32xf32, #tpu.memory_space<hbm>>
    %dma_wait3A_478 = arith.constant 0 : i32
    %dma_wait3A_479 = arith.constant 0 : i32
    %dma_wait3A_480 = tpu.memref_slice %arg6[%dma_wait3A_467, %dma_wait3A_478, %dma_wait3A_479] : memref<5x128x32xf32, #tpu.memory_space<vmem>> -> memref<1x128x32xf32, #tpu.memory_space<vmem>>
    %dma_wait3A_481 = tpu.memref_squeeze %dma_wait3A_480 : memref<1x128x32xf32, #tpu.memory_space<vmem>> -> memref<128x32xf32, #tpu.memory_space<vmem>>
    tpu.wait_dma2 semaphore(%arg13 : memref<!tpu.dma_semaphore, #tpu.memory_space<semaphore_mem>>) src(%dma_wait3A_481 : memref<128x32xf32, #tpu.memory_space<vmem>>) dst(%dma_wait3A_477 : memref<128x32xf32, #tpu.memory_space<hbm>>)
    %add3A_482 = arith.constant 46 : i32
    %add3A_483 = arith.addi %mul3A_2, %add3A_482 : i32
    %jit3A_484 = arith.constant 32 : i32
    %div3A_485 = arith.divsi %add3A_483, %jit3A_484 : i32
    %sign3A_486 = arith.constant 0 : i32
    %sign3A_487 = arith.cmpi sgt, %add3A_483, %sign3A_486 : i32
    %sign3A_488 = arith.extui %sign3A_487 : i1 to i32
    %sign3A_489 = arith.constant 0 : i32
    %sign3A_490 = arith.cmpi slt, %add3A_483, %sign3A_489 : i32
    %sign3A_491 = arith.extui %sign3A_490 : i1 to i32
    %sign3A_492 = arith.subi %sign3A_488, %sign3A_491 : i32
    %sign3A_493 = arith.constant 0 : i32
    %sign3A_494 = arith.cmpi sgt, %jit3A_484, %sign3A_493 : i32
    %sign3A_495 = arith.extui %sign3A_494 : i1 to i32
    %sign3A_496 = arith.constant 0 : i32
    %sign3A_497 = arith.cmpi slt, %jit3A_484, %sign3A_496 : i32
    %sign3A_498 = arith.extui %sign3A_497 : i1 to i32
    %sign3A_499 = arith.subi %sign3A_495, %sign3A_498 : i32
    %ne3A_500 = arith.cmpi ne, %sign3A_492, %sign3A_499 : i32
    %rem3A_501 = arith.remsi %add3A_483, %jit3A_484 : i32
    %ne3A_502 = arith.constant 0 : i32
    %ne3A_503 = arith.cmpi ne, %rem3A_501, %ne3A_502 : i32
    %and3A_504 = arith.andi %ne3A_500, %ne3A_503 : i1
    %sub3A_505 = arith.constant 1 : i32
    %sub3A_506 = arith.subi %div3A_485, %sub3A_505 : i32
    %select_n3A_507 = arith.select %and3A_504, %sub3A_506, %div3A_485 : i32
    %jit3A_508 = arith.constant 32 : i32
    %eq3A_509 = arith.constant 0 : i32
    %eq3A_510 = arith.cmpi eq, %jit3A_508, %eq3A_509 : i32
    %jit3A_511 = arith.constant 1 : i32
    %select_n3A_512 = arith.select %eq3A_510, %jit3A_511, %jit3A_508 : i32
    %rem3A_513 = arith.remsi %add3A_483, %select_n3A_512 : i32
    %ne3A_514 = arith.constant 0 : i32
    %ne3A_515 = arith.cmpi ne, %rem3A_513, %ne3A_514 : i32
    %lt3A_516 = arith.constant 0 : i32
    %lt3A_517 = arith.cmpi slt, %rem3A_513, %lt3A_516 : i32
    %lt3A_518 = arith.constant 0 : i32
    %lt3A_519 = arith.cmpi slt, %select_n3A_512, %lt3A_518 : i32
    %ne3A_520 = arith.xori %lt3A_517, %lt3A_519 : i1
    %and3A_521 = arith.andi %ne3A_520, %ne3A_515 : i1
    %add3A_522 = arith.addi %rem3A_513, %select_n3A_512 : i32
    %select_n3A_523 = arith.select %and3A_521, %add3A_522, %rem3A_513 : i32
    %mul3A_524 = arith.constant 128 : i32
    %mul3A_525 = arith.muli %select_n3A_523, %mul3A_524 : i32
    %dma_wait3A_526 = arith.constant 1 : i32
    %dma_wait3A_527 = arith.constant 0 : i32
    %dma_wait3A_528 = arith.constant 0 : i32
    %dma_wait3A_529 = tpu.memref_slice %arg6[%dma_wait3A_526, %dma_wait3A_527, %dma_wait3A_528] : memref<5x128x32xf32, #tpu.memory_space<vmem>> -> memref<1x128x32xf32, #tpu.memory_space<vmem>>
    %dma_wait3A_530 = tpu.memref_squeeze %dma_wait3A_529 : memref<1x128x32xf32, #tpu.memory_space<vmem>> -> memref<128x32xf32, #tpu.memory_space<vmem>>
    %dma_wait3A_531 = arith.constant 0 : i32
    %dma_wait3A_532 = tpu.memref_slice %arg4[%select_n3A_507, %mul3A_525, %dma_wait3A_531] : memref<50x4096x32xf32, #tpu.memory_space<hbm>> -> memref<1x128x32xf32, #tpu.memory_space<hbm>>
    %dma_wait3A_533 = tpu.memref_squeeze %dma_wait3A_532 : memref<1x128x32xf32, #tpu.memory_space<hbm>> -> memref<128x32xf32, #tpu.memory_space<hbm>>
    %dma_wait3A_534 = arith.constant 0 : i32
    %dma_wait3A_535 = tpu.memref_slice %arg4[%select_n3A_507, %mul3A_525, %dma_wait3A_534] : memref<50x4096x32xf32, #tpu.memory_space<hbm>> -> memref<1x128x32xf32, #tpu.memory_space<hbm>>
    %dma_wait3A_536 = tpu.memref_squeeze %dma_wait3A_535 : memref<1x128x32xf32, #tpu.memory_space<hbm>> -> memref<128x32xf32, #tpu.memory_space<hbm>>
    %dma_wait3A_537 = arith.constant 0 : i32
    %dma_wait3A_538 = arith.constant 0 : i32
    %dma_wait3A_539 = tpu.memref_slice %arg6[%dma_wait3A_526, %dma_wait3A_537, %dma_wait3A_538] : memref<5x128x32xf32, #tpu.memory_space<vmem>> -> memref<1x128x32xf32, #tpu.memory_space<vmem>>
    %dma_wait3A_540 = tpu.memref_squeeze %dma_wait3A_539 : memref<1x128x32xf32, #tpu.memory_space<vmem>> -> memref<128x32xf32, #tpu.memory_space<vmem>>
    tpu.wait_dma2 semaphore(%arg14 : memref<!tpu.dma_semaphore, #tpu.memory_space<semaphore_mem>>) src(%dma_wait3A_540 : memref<128x32xf32, #tpu.memory_space<vmem>>) dst(%dma_wait3A_536 : memref<128x32xf32, #tpu.memory_space<hbm>>)
    %add3A_541 = arith.constant 47 : i32
    %add3A_542 = arith.addi %mul3A_2, %add3A_541 : i32
    %jit3A_543 = arith.constant 32 : i32
    %div3A_544 = arith.divsi %add3A_542, %jit3A_543 : i32
    %sign3A_545 = arith.constant 0 : i32
    %sign3A_546 = arith.cmpi sgt, %add3A_542, %sign3A_545 : i32
    %sign3A_547 = arith.extui %sign3A_546 : i1 to i32
    %sign3A_548 = arith.constant 0 : i32
    %sign3A_549 = arith.cmpi slt, %add3A_542, %sign3A_548 : i32
    %sign3A_550 = arith.extui %sign3A_549 : i1 to i32
    %sign3A_551 = arith.subi %sign3A_547, %sign3A_550 : i32
    %sign3A_552 = arith.constant 0 : i32
    %sign3A_553 = arith.cmpi sgt, %jit3A_543, %sign3A_552 : i32
    %sign3A_554 = arith.extui %sign3A_553 : i1 to i32
    %sign3A_555 = arith.constant 0 : i32
    %sign3A_556 = arith.cmpi slt, %jit3A_543, %sign3A_555 : i32
    %sign3A_557 = arith.extui %sign3A_556 : i1 to i32
    %sign3A_558 = arith.subi %sign3A_554, %sign3A_557 : i32
    %ne3A_559 = arith.cmpi ne, %sign3A_551, %sign3A_558 : i32
    %rem3A_560 = arith.remsi %add3A_542, %jit3A_543 : i32
    %ne3A_561 = arith.constant 0 : i32
    %ne3A_562 = arith.cmpi ne, %rem3A_560, %ne3A_561 : i32
    %and3A_563 = arith.andi %ne3A_559, %ne3A_562 : i1
    %sub3A_564 = arith.constant 1 : i32
    %sub3A_565 = arith.subi %div3A_544, %sub3A_564 : i32
    %select_n3A_566 = arith.select %and3A_563, %sub3A_565, %div3A_544 : i32
    %jit3A_567 = arith.constant 32 : i32
    %eq3A_568 = arith.constant 0 : i32
    %eq3A_569 = arith.cmpi eq, %jit3A_567, %eq3A_568 : i32
    %jit3A_570 = arith.constant 1 : i32
    %select_n3A_571 = arith.select %eq3A_569, %jit3A_570, %jit3A_567 : i32
    %rem3A_572 = arith.remsi %add3A_542, %select_n3A_571 : i32
    %ne3A_573 = arith.constant 0 : i32
    %ne3A_574 = arith.cmpi ne, %rem3A_572, %ne3A_573 : i32
    %lt3A_575 = arith.constant 0 : i32
    %lt3A_576 = arith.cmpi slt, %rem3A_572, %lt3A_575 : i32
    %lt3A_577 = arith.constant 0 : i32
    %lt3A_578 = arith.cmpi slt, %select_n3A_571, %lt3A_577 : i32
    %ne3A_579 = arith.xori %lt3A_576, %lt3A_578 : i1
    %and3A_580 = arith.andi %ne3A_579, %ne3A_574 : i1
    %add3A_581 = arith.addi %rem3A_572, %select_n3A_571 : i32
    %select_n3A_582 = arith.select %and3A_580, %add3A_581, %rem3A_572 : i32
    %mul3A_583 = arith.constant 128 : i32
    %mul3A_584 = arith.muli %select_n3A_582, %mul3A_583 : i32
    %dma_wait3A_585 = arith.constant 2 : i32
    %dma_wait3A_586 = arith.constant 0 : i32
    %dma_wait3A_587 = arith.constant 0 : i32
    %dma_wait3A_588 = tpu.memref_slice %arg6[%dma_wait3A_585, %dma_wait3A_586, %dma_wait3A_587] : memref<5x128x32xf32, #tpu.memory_space<vmem>> -> memref<1x128x32xf32, #tpu.memory_space<vmem>>
    %dma_wait3A_589 = tpu.memref_squeeze %dma_wait3A_588 : memref<1x128x32xf32, #tpu.memory_space<vmem>> -> memref<128x32xf32, #tpu.memory_space<vmem>>
    %dma_wait3A_590 = arith.constant 0 : i32
    %dma_wait3A_591 = tpu.memref_slice %arg4[%select_n3A_566, %mul3A_584, %dma_wait3A_590] : memref<50x4096x32xf32, #tpu.memory_space<hbm>> -> memref<1x128x32xf32, #tpu.memory_space<hbm>>
    %dma_wait3A_592 = tpu.memref_squeeze %dma_wait3A_591 : memref<1x128x32xf32, #tpu.memory_space<hbm>> -> memref<128x32xf32, #tpu.memory_space<hbm>>
    %dma_wait3A_593 = arith.constant 0 : i32
    %dma_wait3A_594 = tpu.memref_slice %arg4[%select_n3A_566, %mul3A_584, %dma_wait3A_593] : memref<50x4096x32xf32, #tpu.memory_space<hbm>> -> memref<1x128x32xf32, #tpu.memory_space<hbm>>
    %dma_wait3A_595 = tpu.memref_squeeze %dma_wait3A_594 : memref<1x128x32xf32, #tpu.memory_space<hbm>> -> memref<128x32xf32, #tpu.memory_space<hbm>>
    %dma_wait3A_596 = arith.constant 0 : i32
    %dma_wait3A_597 = arith.constant 0 : i32
    %dma_wait3A_598 = tpu.memref_slice %arg6[%dma_wait3A_585, %dma_wait3A_596, %dma_wait3A_597] : memref<5x128x32xf32, #tpu.memory_space<vmem>> -> memref<1x128x32xf32, #tpu.memory_space<vmem>>
    %dma_wait3A_599 = tpu.memref_squeeze %dma_wait3A_598 : memref<1x128x32xf32, #tpu.memory_space<vmem>> -> memref<128x32xf32, #tpu.memory_space<vmem>>
    tpu.wait_dma2 semaphore(%arg15 : memref<!tpu.dma_semaphore, #tpu.memory_space<semaphore_mem>>) src(%dma_wait3A_599 : memref<128x32xf32, #tpu.memory_space<vmem>>) dst(%dma_wait3A_595 : memref<128x32xf32, #tpu.memory_space<hbm>>)
    %add3A_600 = arith.constant 48 : i32
    %add3A_601 = arith.addi %mul3A_2, %add3A_600 : i32
    %jit3A_602 = arith.constant 32 : i32
    %div3A_603 = arith.divsi %add3A_601, %jit3A_602 : i32
    %sign3A_604 = arith.constant 0 : i32
    %sign3A_605 = arith.cmpi sgt, %add3A_601, %sign3A_604 : i32
    %sign3A_606 = arith.extui %sign3A_605 : i1 to i32
    %sign3A_607 = arith.constant 0 : i32
    %sign3A_608 = arith.cmpi slt, %add3A_601, %sign3A_607 : i32
    %sign3A_609 = arith.extui %sign3A_608 : i1 to i32
    %sign3A_610 = arith.subi %sign3A_606, %sign3A_609 : i32
    %sign3A_611 = arith.constant 0 : i32
    %sign3A_612 = arith.cmpi sgt, %jit3A_602, %sign3A_611 : i32
    %sign3A_613 = arith.extui %sign3A_612 : i1 to i32
    %sign3A_614 = arith.constant 0 : i32
    %sign3A_615 = arith.cmpi slt, %jit3A_602, %sign3A_614 : i32
    %sign3A_616 = arith.extui %sign3A_615 : i1 to i32
    %sign3A_617 = arith.subi %sign3A_613, %sign3A_616 : i32
    %ne3A_618 = arith.cmpi ne, %sign3A_610, %sign3A_617 : i32
    %rem3A_619 = arith.remsi %add3A_601, %jit3A_602 : i32
    %ne3A_620 = arith.constant 0 : i32
    %ne3A_621 = arith.cmpi ne, %rem3A_619, %ne3A_620 : i32
    %and3A_622 = arith.andi %ne3A_618, %ne3A_621 : i1
    %sub3A_623 = arith.constant 1 : i32
    %sub3A_624 = arith.subi %div3A_603, %sub3A_623 : i32
    %select_n3A_625 = arith.select %and3A_622, %sub3A_624, %div3A_603 : i32
    %jit3A_626 = arith.constant 32 : i32
    %eq3A_627 = arith.constant 0 : i32
    %eq3A_628 = arith.cmpi eq, %jit3A_626, %eq3A_627 : i32
    %jit3A_629 = arith.constant 1 : i32
    %select_n3A_630 = arith.select %eq3A_628, %jit3A_629, %jit3A_626 : i32
    %rem3A_631 = arith.remsi %add3A_601, %select_n3A_630 : i32
    %ne3A_632 = arith.constant 0 : i32
    %ne3A_633 = arith.cmpi ne, %rem3A_631, %ne3A_632 : i32
    %lt3A_634 = arith.constant 0 : i32
    %lt3A_635 = arith.cmpi slt, %rem3A_631, %lt3A_634 : i32
    %lt3A_636 = arith.constant 0 : i32
    %lt3A_637 = arith.cmpi slt, %select_n3A_630, %lt3A_636 : i32
    %ne3A_638 = arith.xori %lt3A_635, %lt3A_637 : i1
    %and3A_639 = arith.andi %ne3A_638, %ne3A_633 : i1
    %add3A_640 = arith.addi %rem3A_631, %select_n3A_630 : i32
    %select_n3A_641 = arith.select %and3A_639, %add3A_640, %rem3A_631 : i32
    %mul3A_642 = arith.constant 128 : i32
    %mul3A_643 = arith.muli %select_n3A_641, %mul3A_642 : i32
    %dma_wait3A_644 = arith.constant 3 : i32
    %dma_wait3A_645 = arith.constant 0 : i32
    %dma_wait3A_646 = arith.constant 0 : i32
    %dma_wait3A_647 = tpu.memref_slice %arg6[%dma_wait3A_644, %dma_wait3A_645, %dma_wait3A_646] : memref<5x128x32xf32, #tpu.memory_space<vmem>> -> memref<1x128x32xf32, #tpu.memory_space<vmem>>
    %dma_wait3A_648 = tpu.memref_squeeze %dma_wait3A_647 : memref<1x128x32xf32, #tpu.memory_space<vmem>> -> memref<128x32xf32, #tpu.memory_space<vmem>>
    %dma_wait3A_649 = arith.constant 0 : i32
    %dma_wait3A_650 = tpu.memref_slice %arg4[%select_n3A_625, %mul3A_643, %dma_wait3A_649] : memref<50x4096x32xf32, #tpu.memory_space<hbm>> -> memref<1x128x32xf32, #tpu.memory_space<hbm>>
    %dma_wait3A_651 = tpu.memref_squeeze %dma_wait3A_650 : memref<1x128x32xf32, #tpu.memory_space<hbm>> -> memref<128x32xf32, #tpu.memory_space<hbm>>
    %dma_wait3A_652 = arith.constant 0 : i32
    %dma_wait3A_653 = tpu.memref_slice %arg4[%select_n3A_625, %mul3A_643, %dma_wait3A_652] : memref<50x4096x32xf32, #tpu.memory_space<hbm>> -> memref<1x128x32xf32, #tpu.memory_space<hbm>>
    %dma_wait3A_654 = tpu.memref_squeeze %dma_wait3A_653 : memref<1x128x32xf32, #tpu.memory_space<hbm>> -> memref<128x32xf32, #tpu.memory_space<hbm>>
    %dma_wait3A_655 = arith.constant 0 : i32
    %dma_wait3A_656 = arith.constant 0 : i32
    %dma_wait3A_657 = tpu.memref_slice %arg6[%dma_wait3A_644, %dma_wait3A_655, %dma_wait3A_656] : memref<5x128x32xf32, #tpu.memory_space<vmem>> -> memref<1x128x32xf32, #tpu.memory_space<vmem>>
    %dma_wait3A_658 = tpu.memref_squeeze %dma_wait3A_657 : memref<1x128x32xf32, #tpu.memory_space<vmem>> -> memref<128x32xf32, #tpu.memory_space<vmem>>
    tpu.wait_dma2 semaphore(%arg16 : memref<!tpu.dma_semaphore, #tpu.memory_space<semaphore_mem>>) src(%dma_wait3A_658 : memref<128x32xf32, #tpu.memory_space<vmem>>) dst(%dma_wait3A_654 : memref<128x32xf32, #tpu.memory_space<hbm>>)
    %add3A_659 = arith.constant 49 : i32
    %add3A_660 = arith.addi %mul3A_2, %add3A_659 : i32
    %jit3A_661 = arith.constant 32 : i32
    %div3A_662 = arith.divsi %add3A_660, %jit3A_661 : i32
    %sign3A_663 = arith.constant 0 : i32
    %sign3A_664 = arith.cmpi sgt, %add3A_660, %sign3A_663 : i32
    %sign3A_665 = arith.extui %sign3A_664 : i1 to i32
    %sign3A_666 = arith.constant 0 : i32
    %sign3A_667 = arith.cmpi slt, %add3A_660, %sign3A_666 : i32
    %sign3A_668 = arith.extui %sign3A_667 : i1 to i32
    %sign3A_669 = arith.subi %sign3A_665, %sign3A_668 : i32
    %sign3A_670 = arith.constant 0 : i32
    %sign3A_671 = arith.cmpi sgt, %jit3A_661, %sign3A_670 : i32
    %sign3A_672 = arith.extui %sign3A_671 : i1 to i32
    %sign3A_673 = arith.constant 0 : i32
    %sign3A_674 = arith.cmpi slt, %jit3A_661, %sign3A_673 : i32
    %sign3A_675 = arith.extui %sign3A_674 : i1 to i32
    %sign3A_676 = arith.subi %sign3A_672, %sign3A_675 : i32
    %ne3A_677 = arith.cmpi ne, %sign3A_669, %sign3A_676 : i32
    %rem3A_678 = arith.remsi %add3A_660, %jit3A_661 : i32
    %ne3A_679 = arith.constant 0 : i32
    %ne3A_680 = arith.cmpi ne, %rem3A_678, %ne3A_679 : i32
    %and3A_681 = arith.andi %ne3A_677, %ne3A_680 : i1
    %sub3A_682 = arith.constant 1 : i32
    %sub3A_683 = arith.subi %div3A_662, %sub3A_682 : i32
    %select_n3A_684 = arith.select %and3A_681, %sub3A_683, %div3A_662 : i32
    %jit3A_685 = arith.constant 32 : i32
    %eq3A_686 = arith.constant 0 : i32
    %eq3A_687 = arith.cmpi eq, %jit3A_685, %eq3A_686 : i32
    %jit3A_688 = arith.constant 1 : i32
    %select_n3A_689 = arith.select %eq3A_687, %jit3A_688, %jit3A_685 : i32
    %rem3A_690 = arith.remsi %add3A_660, %select_n3A_689 : i32
    %ne3A_691 = arith.constant 0 : i32
    %ne3A_692 = arith.cmpi ne, %rem3A_690, %ne3A_691 : i32
    %lt3A_693 = arith.constant 0 : i32
    %lt3A_694 = arith.cmpi slt, %rem3A_690, %lt3A_693 : i32
    %lt3A_695 = arith.constant 0 : i32
    %lt3A_696 = arith.cmpi slt, %select_n3A_689, %lt3A_695 : i32
    %ne3A_697 = arith.xori %lt3A_694, %lt3A_696 : i1
    %and3A_698 = arith.andi %ne3A_697, %ne3A_692 : i1
    %add3A_699 = arith.addi %rem3A_690, %select_n3A_689 : i32
    %select_n3A_700 = arith.select %and3A_698, %add3A_699, %rem3A_690 : i32
    %mul3A_701 = arith.constant 128 : i32
    %mul3A_702 = arith.muli %select_n3A_700, %mul3A_701 : i32
    %dma_wait3A_703 = arith.constant 4 : i32
    %dma_wait3A_704 = arith.constant 0 : i32
    %dma_wait3A_705 = arith.constant 0 : i32
    %dma_wait3A_706 = tpu.memref_slice %arg6[%dma_wait3A_703, %dma_wait3A_704, %dma_wait3A_705] : memref<5x128x32xf32, #tpu.memory_space<vmem>> -> memref<1x128x32xf32, #tpu.memory_space<vmem>>
    %dma_wait3A_707 = tpu.memref_squeeze %dma_wait3A_706 : memref<1x128x32xf32, #tpu.memory_space<vmem>> -> memref<128x32xf32, #tpu.memory_space<vmem>>
    %dma_wait3A_708 = arith.constant 0 : i32
    %dma_wait3A_709 = tpu.memref_slice %arg4[%select_n3A_684, %mul3A_702, %dma_wait3A_708] : memref<50x4096x32xf32, #tpu.memory_space<hbm>> -> memref<1x128x32xf32, #tpu.memory_space<hbm>>
    %dma_wait3A_710 = tpu.memref_squeeze %dma_wait3A_709 : memref<1x128x32xf32, #tpu.memory_space<hbm>> -> memref<128x32xf32, #tpu.memory_space<hbm>>
    %dma_wait3A_711 = arith.constant 0 : i32
    %dma_wait3A_712 = tpu.memref_slice %arg4[%select_n3A_684, %mul3A_702, %dma_wait3A_711] : memref<50x4096x32xf32, #tpu.memory_space<hbm>> -> memref<1x128x32xf32, #tpu.memory_space<hbm>>
    %dma_wait3A_713 = tpu.memref_squeeze %dma_wait3A_712 : memref<1x128x32xf32, #tpu.memory_space<hbm>> -> memref<128x32xf32, #tpu.memory_space<hbm>>
    %dma_wait3A_714 = arith.constant 0 : i32
    %dma_wait3A_715 = arith.constant 0 : i32
    %dma_wait3A_716 = tpu.memref_slice %arg6[%dma_wait3A_703, %dma_wait3A_714, %dma_wait3A_715] : memref<5x128x32xf32, #tpu.memory_space<vmem>> -> memref<1x128x32xf32, #tpu.memory_space<vmem>>
    %dma_wait3A_717 = tpu.memref_squeeze %dma_wait3A_716 : memref<1x128x32xf32, #tpu.memory_space<vmem>> -> memref<128x32xf32, #tpu.memory_space<vmem>>
    tpu.wait_dma2 semaphore(%arg17 : memref<!tpu.dma_semaphore, #tpu.memory_space<semaphore_mem>>) src(%dma_wait3A_717 : memref<128x32xf32, #tpu.memory_space<vmem>>) dst(%dma_wait3A_713 : memref<128x32xf32, #tpu.memory_space<hbm>>)
    return
  }
}

</mosaic_0001>

<sc_bundles>
// kernel: _sc_gather.3.cloned.1.call-start
scs
__scs_entry_jumppad:
0x0: {  	(pc) =	sbr.rel $0x88, $3  }
0x1: {  	(tag) =	ssettag $0x0;
	lr =	simm.s32 $0x1  }
0x2: {  	[smem:$0x3F9F] =	sst lr;
	_ =	strace $0xD0000000  }
0x3: {  	_ = 	snop  }
0x4: {  	_ = 	snop  }
0x5: {  	_ = 	snop  }
0x6: {  	_ = 	snop  }
0x7: {  	_ = 	snop  }
__scs_overlays_trampoline_lowered:
0x8: {  	[smem:$0x3FAE] =	sst s0  }
0x9: {  	[smem:$0x3FAF] =	sst s1  }
0xa: {  	[smem:$0x3FB0] =	sst s2  }
0xb: {  	[smem:$0x3FB1] =	sst s3  }
0xc: {  	[smem:$0x3FB2] =	sst s4  }
0xd: {  	[smem:$0x3FB3] =	sst s5  }
0xe: {  	[smem:$0x3FB4] =	sst s6  }
0xf: {  	[smem:$0x3FB5] =	sst s7  }
0x10: {  	[smem:$0x3FB6] =	sst s8  }
0x11: {  	[smem:$0x3FB7] =	sst s9;
	s0 =	simm.s32 @!p0 $0x0  }
0x12: {  	s1 =	sld [smem:$0x3F9D];
	s0 =	simm.s32 @p0 $0x1  }
0x13: {  	[smem:$0x3FB8] =	sst s0;
	s0 =	simm.s32 @!p1 $0x0  }
0x14: {  	s2 =	sld [smem:$0x3F9C];
	s0 =	simm.s32 @p1 $0x1  }
0x15: {  	[smem:$0x3FB9] =	sst s0;
	s0 =	simm.s32 @!p2 $0x0  }
0x16: {  	s3 =	sld [smem:$0x3FDB];
	s0 =	simm.s32 @p2 $0x1  }
0x17: {  	s4 =	simm.s32 $0x1BF5;
	[smem:$0x3FBB] =	sst s0  }
0x18: {  	s0 =	sld [smem:$0x3F9E];
	_ =	swait.ge [sflag:s4], $0x0  }
0x19: {  	s7 =	sld [smem:$0x3F9F]  }
0x1a: {  	s8 =	sadd.s32 $0xFFFFE003, lr  }
0x1b: {  	s9 =	sadd.s32 $0xFFFFFEF7, lr;
	s5 =	simm.s32 $0xFFFFFFFF;
	p2 =	slt.u32 s8, $0xFFFFF086  }
0x1c: {  	p1 =	slt.u32 s9, $0xF7A;
	s5 =	simm.s32 @!p2 $0x0  }
0x1d: {  	s5 =	simm.s32 @p1 $0x1;
	p0 =	seq.s32 s7, s2  }
0x1e: {  	s7 =	smul.u32 @!p0 $0xF7A, s2;
	p2 =	seq.s32 @!p0 s5, $0x0  }
0x1f: {  	s9 =	smul.u32 $0xF7A, s1;
	s8 =	simm.s32 @!p0 $0x1BF5;
	p2 =	por !p2, p0  }
0x20: {  	[sflag:s8] =	ssyncset.s32 @!p0 $0xFFFFF086;
	s6 =	sadd.s32 @!p0 s3, s7;
	s7 =	simm.s32 @!p0 $0x108  }
0x21: {  	s3 =	sadd.s32 s3, s9;
	s6 =	sadd.s32 @!p0 $0x88, s6;
	s7 =	simm.s32 @p2 $0x1082  }
0x22: {  	[simem:s7], [sflag:s8] =	dma.local @!p0 [hbm:s6], $0xF7A  }
0x23: {  	s9 =	sor.u32 $0xD0000000, s2;
	s6 =	simm.s32 $0x108;
	_ =	swait.ge @!p0 [sflag:s8], $0x0  }
0x24: {  	s3 =	sadd.s32 $0x88, s3;
	s6 =	simm.s32 @!p1 $0x1082;
	[sflag:s4] =	ssyncset.s32 $0xFFFFF086  }
0x25: {  	[simem:s6], [sflag:s4] =	dma.local [hbm:s3], $0xF7A  }
0x26: {  	[smem:$0x3F9F] =	sst s1;
	(tag) =	ssettag s2;
	_ =	strace s9  }
0x27: {  	s1 =	sld [smem:$0x3FAF]  }
0x28: {  	s2 =	sld [smem:$0x3FB0]  }
0x29: {  	s4 =	sld [smem:$0x3FB2]  }
0x2a: {  	p0 =	seq.s32 s5, $0x0;
	s5 =	sld [smem:$0x3FB3]  }
0x2b: {  	s6 =	sld [smem:$0x3FB4]  }
0x2c: {  	s7 =	sld [smem:$0x3FB5]  }
0x2d: {  	s3 =	simm.s32 $0x108;
	s8 =	sld [smem:$0x3FB6]  }
0x2e: {  	s3 =	simm.s32 @!p0 $0x1082;
	s9 =	sld [smem:$0x3FB7]  }
0x2f: {  	lr =	sadd.s32 s0, s3;
	s0 =	sld [smem:$0x3FAE]  }
0x30: {  	s3 =	sld [smem:$0x3FB1]  }
0x31: {  	[smem:$0x3FBA] =	sst s10  }
0x32: {  	s10 =	sld [smem:$0x3FB8];
	_ =	sdelay $0x3  }
0x33: {  	p0 =	seq.s32 s10, $0x1;
	s10 =	sld [smem:$0x3FBA];
	_ =	sdelay $0x3  }
0x34: {  	[smem:$0x3FBA] =	sst s10  }
0x35: {  	s10 =	sld [smem:$0x3FB9];
	_ =	sdelay $0x3  }
0x36: {  	p1 =	seq.s32 s10, $0x1;
	s10 =	sld [smem:$0x3FBA];
	_ =	sdelay $0x3  }
0x37: {  	[smem:$0x3FBA] =	sst s10  }
0x38: {  	s10 =	sld [smem:$0x3FBB]  }
0x39: {  	_ = 	snop;
	(pc) =	sbr.ind lr, $3  }
0x3a: {  	_ = 	snop  }
0x3b: {  	_ = 	snop  }
0x3c: {  	p2 =	seq.s32 s10, $0x1;
	s10 =	sld [smem:$0x3FBA]  }
0x3d: {  	_ =	shalt  }
0x3e: {  	_ =	shalt  }
0x3f: {  	_ =	shalt  }
0x40: {  	_ =	shalt  }
0x41: {  	_ =	shalt  }
0x42: {  	_ =	shalt  }
0x43: {  	_ =	shalt  }
0x44: {  	_ =	shalt  }
0x45: {  	_ =	shalt  }
0x46: {  	_ =	shalt  }
0x47: {  	_ =	shalt  }
0x48: {  	_ =	shalt  }
0x49: {  	_ =	shalt  }
0x4a: {  	_ =	shalt  }
0x4b: {  	_ =	shalt  }
0x4c: {  	_ =	shalt  }
0x4d: {  	_ =	shalt  }
0x4e: {  	_ =	shalt  }
0x4f: {  	_ =	shalt  }
0x50: {  	_ =	shalt  }
0x51: {  	_ =	shalt  }
0x52: {  	_ =	shalt  }
0x53: {  	_ =	shalt  }
0x54: {  	_ =	shalt  }
0x55: {  	_ =	shalt  }
0x56: {  	_ =	shalt  }
0x57: {  	_ =	shalt  }
0x58: {  	_ =	shalt  }
0x59: {  	_ =	shalt  }
0x5a: {  	_ =	shalt  }
0x5b: {  	_ =	shalt  }
0x5c: {  	_ =	shalt  }
0x5d: {  	_ =	shalt  }
0x5e: {  	_ =	shalt  }
0x5f: {  	_ =	shalt  }
0x60: {  	_ =	shalt  }
0x61: {  	_ =	shalt  }
0x62: {  	_ =	shalt  }
0x63: {  	_ =	shalt  }
0x64: {  	_ =	shalt  }
0x65: {  	_ =	shalt  }
0x66: {  	_ =	shalt  }
0x67: {  	_ =	shalt  }
0x68: {  	_ =	shalt  }
0x69: {  	_ =	shalt  }
0x6a: {  	_ =	shalt  }
0x6b: {  	_ =	shalt  }
0x6c: {  	_ =	shalt  }
0x6d: {  	_ =	shalt  }
0x6e: {  	_ =	shalt  }
0x6f: {  	_ =	shalt  }
0x70: {  	_ =	shalt  }
0x71: {  	_ =	shalt  }
0x72: {  	_ =	shalt  }
0x73: {  	_ =	shalt  }
0x74: {  	_ =	shalt  }
0x75: {  	_ =	shalt  }
0x76: {  	_ =	shalt  }
0x77: {  	_ =	shalt  }
0x78: {  	_ =	shalt  }
0x79: {  	_ =	shalt  }
0x7a: {  	_ =	shalt  }
0x7b: {  	_ =	shalt  }
0x7c: {  	_ =	shalt  }
0x7d: {  	_ =	shalt  }
0x7e: {  	_ =	shalt  }
0x7f: {  	_ =	shalt  }
0x80: {  	_ =	shalt  }
0x81: {  	_ =	shalt  }
0x82: {  	_ =	shalt  }
0x83: {  	_ =	shalt  }
0x84: {  	_ =	shalt  }
0x85: {  	_ =	shalt  }
0x86: {  	_ =	shalt  }
0x87: {  	_ =	shalt  }
.Lfunc_end0:
.L_simem_size_0:
called_computation_lowered:
.L_overlay_start_0:
0x88: {  	s2 =	sld [smem:$0x3FD9]  }
0x89: {  	s3 =	sld [smem:$0x3FFE];
	_ =	sdelay $0x1  }
0x8a: {  	s1 =	srdreg.scid  }
0x8b: {  	s0 =	sand.u32 $0x1, s1  }
0x8c: {  	s17 =	sshll.u32 s0, $0xA;
	s2 =	sadd.s32 s3, s2  }
0x8d: {  	s2 =	sadd.s32 s2, s17  }
0x8e: {  	[smem:$0x3FC6] =	sst s2  }
0x8f: {  	_ = 	snop  }
0x90: {  	s2 =	sld [smem:$0x3FD0];
	(tm) =	ssettm $0x1  }
0x91: {  	s18 =	sld [smem:$0x3FFB];
	_ =	sdelay $0x3  }
0x92: {  	_ =	strace s18  }
0x93: {  	s3 =	sld [smem:$0x3FFC];
	_ =	sdelay $0x3  }
0x94: {  	_ =	strace s3  }
0x95: {  	s3 =	sld [smem:$0x3FFD];
	_ =	sdelay $0x3  }
0x96: {  	_ =	strace s3  }
0x97: {  	_ =	strace $0x8FFFFFFF  }
0x98: {  	s19 =	sld [smem:$0x3FDB];
	_ =	sdelay $0x1  }
0x99: {  	s4 =	simm.s32 $_scs_section_size  }
0x9a: {  	s5 =	simm.s32 $_size__tile_overlayer_lowered;
	s6 =	simm.s32 $_tile_overlayer_lowered  }
0x9b: {  	s22 =	simm.s32 $0x1BFF;
	s21 =	sshll.u32 s6, $0x1;
	s3 =	sadd.s32 s4, s19  }
0x9c: {  	s7 =	simm.s32 $0x0;
	s20 =	sshll.u32 s5, $0x1;
	s5 =	sadd.s32 s21, s3  }
0x9d: {  	[timem:s7], [sflag:s22] =	dma.local [hbm:s5], s20  }
0x9e: {  	_ =	swait.ge [sflag:s22], s20  }
0x9f: {  	s4 =	ssub.s32 $0x0, s20;
	[sflag:s22] =	ssyncset.done $0x0  }
0xa0: {  	[sflag:s22] =	ssyncadd.s32 s4;
	_ =	sdelay $0x1  }
0xa1: {  	s23 =	simm.s32 $0x1B8B  }
0xa2: {  	_ =	swait.ge [sflag:s23], $0x1  }
0xa3: {  	[sflag:s23] =	ssyncset.done $0x0  }
0xa4: {  	s25 =	simm.s32 $0x1B8E;
	s24 =	sld [smem:$0x3FFE];
	[sflag:s23] =	ssyncadd.s32 $0xFFFFFFFF  }
0xa5: {  	s26 =	simm.s32 $execute0_lowered;
	[smem:$0x3FD2] =	sst s25  }
0xa6: {  	s5 =	sshll.u32 s26, $0x1;
	_ =	strace $0x80000046;
	[dreg:$0x1] =	wrdreg $0xFFFFFFFF  }
0xa7: {  	s28 =	simm.s32 $_size_execute0_lowered;
	s3 =	sadd.s32 s3, s5;
	[dreg:$0x0] =	wrdreg $0x0  }
0xa8: {  	s5 =	sshll.u32 s28, $0x1;
	[dreg:$0x2] =	wrdreg s3  }
0xa9: {  	[dreg:$0x3] =	wrdreg s5  }
0xaa: {  	[dreg:$0x4] =	wrdreg $0xC0  }
0xab: {  	_ =	task [dreg:s7], $0x5FFFF  }
0xac: {  	[dreg:$0x1] =	wrdreg $0xFFFFFFFF  }
0xad: {  	[dreg:$0x0] =	wrdreg $0x60  }
0xae: {  	[dreg:$0x2] =	wrdreg s24  }
0xaf: {  	[dreg:$0x3] =	wrdreg s2  }
0xb0: {  	[dreg:$0x4] =	wrdreg $0x9  }
0xb1: {  	_ =	task.clear_ibuf [dreg:s7], $0x5FFFF;
	_ =	strace $0x90000046  }
0xb2: {  	s29 =	simm.s32 $0x9;
	_ =	strace $0x80000048  }
0xb3: {  	_ =	swait.ge [sflag:s29], $0x1  }
0xb4: {  	[sflag:s29] =	ssyncadd.s32 $0xFFFFFFFF  }
0xb5: {  	_ =	strace $0x90000048  }
0xb6: {  	_ =	sfence  }
0xb7: {  	s30 =	sld [smem:$0x0];
	_ =	sdelay $0x2  }
0xb8: {  	s31 =	sshll.u32 s1, $0xD;
	s1 =	sshrl.u32 s1, $0x2  }
0xb9: {  	s3 =	sand.u32 $0x4000, s31;
	s1 =	sadd.s32 s1, s30  }
0xba: {  	s0 =	sor.u32 s3, s0;
	s1 =	sshll.u32 s1, $0x11  }
0xbb: {  	s0 =	sor.u32 s1, s0  }
0xbc: {  	s0 =	sadd.s32 $0x8F2B, s0  }
0xbd: {  	[sflag:s0] =	ssyncadd.remote.s32 $0x1  }
0xbe: {  	_ =	sfence.sel $0xFFFF  }
0xbf: {  	[dreg:$0x0] =	wrdreg $0xFFFFFFFF;
	(pc) =	sbr.abs _section_cstart, $3  }
0xc0: {  	[dreg:$0x1] =	wrdreg $0xFFFFFFFF  }
0xc1: {  	_ =	task.clear_ibuf [dreg:s7], $0x2FFFF;
	_ =	strace $0x9FFFFFFF  }
0xc2: {  	(tm) =	ssettm $0x7FFFFFFF  }
0xc3: {  	_ =	shalt  }
tec
execute0_lowered:
.L_overlay_start_1:
0x0: {  	(tag) =	ssettag $0x1  }
0x1: {  	s0 =	rddreg [dreg:$0x0]  }
0x2: {  	s1 =	rddreg [dreg:$0x1]  }
0x3: {  	s14 =	stileid.u32;
	s3 =	srdreg.scid  }
0x4: {  	s2 =	simm.s32 $0x0;
	s15 =	simm.s32 $0x1900;
	s16 =	simm.s32 $0x2900  }
0x5: {  	s28 =	simm.s32 $0x6;
	s29 =	simm.s32 $0x7;
	s4 =	smul.u32 $0x640, s14  }
0x6: {  	s30 =	simm.s32 $0x8;
	s31 =	simm.s32 $0x9;
	s8 =	smul.u32 $0x64, s14  }
0x7: {  	s17 =	simm.s32 $0x0;
	s11 =	sand.u32 $0x1, s3;
	s23 =	smul.u32 $0xC800, s14  }
0x8: {  	s18 =	sshll.u32 s14, $0x1;
	[smem:$0x7FF] =	sst s2;
	s12 =	smul.u32 $0x32, s11  }
0x9: {  	s14 =	simm.s32 $0x80;
	s3 =	sor.u32 s11, s18;
	s13 =	smul.u32 $0x320, s11  }
0xa: {  	_ =	strace $0x80000047;
	s19 =	ssub.s32 $0x2, s11;
	s25 =	smul.u32 $0x6400, s11  }
0xb: {  	s18 =	simm.s32 $0x3900;
	s5 =	smul.u32 $0x32000, s3;
	s20 =	sshrl.u32 s19, $0x1  }
0xc: {  	s10 =	sadd.s32 s4, s0;
	s3 =	sadd.s32 $0xF42A00, s0;
	s0 =	ssub.s32 s19, s20  }
0xd: {  	s12 =	sadd.s32 s12, s8;
	s10 =	sadd.s32 s13, s10;
	s5 =	sshrl.u32 s5, $0x3  }
0xe: {  	s13 =	simm.s32 $0x1;
	s20 =	simm.s32 $0x4900;
	s9 =	sadd.s32 s1, s5  }
0xf: {  	s22 =	sshll.u32 s12, $0x9;
	s10 =	sadd.s32 $0x600, s10;
	s21 =	sadd.s32 $0x5A00, s9  }
0x10: {  	s5 =	sadd.s32 $0x5C00, s9;
	s6 =	sadd.s32 $0x5E00, s9;
	s7 =	sadd.s32 $0x6000, s9  }
0x11: {  	s8 =	sadd.s32 $0x6200, s9;
	s9 =	smax.u32 s0, $0x1;
	s0 =	sadd.s32 s22, s1  }
0x12: {  	s1 =	sadd.s32 s23, s1;
	s22 =	simm.s32 $0x5900;
	s23 =	simm.s32 $0x2  }
0x13: {  	[dreg:$0x5] =	wrdreg s21;
	s24 =	sadd.s32 $0x800, s0;
	s26 =	sadd.s32 $0x400, s0  }
0x14: {  	s11 =	sadd.s32 $0x200, s0;
	s12 =	sadd.s32 s25, s1;
	s25 =	simm.s32 $0x4  }
0x15: {  	s0 =	simm.s32 $0xA;
	s1 =	simm.s32 $0xB;
	[dreg:$0x3] =	wrdreg s24  }
0x16: {  	[dreg:$0x4] =	wrdreg s26;
	s24 =	simm.s32 $0x3;
	s26 =	simm.s32 $0x5  }
.LBB2_1:
0x17: {  	s19 =	simm.s32 $0x0;
	s21 =	simm.s32 $0x0  }
.LBB2_2:
0x18: {  	p0 =	sne.s32 s21, $0x310  }
.Ltmp0:
0x19: {  	_ = 	snop;
	(pc) =	sbr.rel @p0 .LBB2_2-.Ltmp0, $4  }
0x1a: {  	_ = 	snop  }
0x1b: {  	s4 =	sadd.s32 s21, s10  }
0x1c: {  	[tilespmem:s19], [sflag:$0x1] =	stream.linear.gather [hbm4b:s4+s2], $0x80, $0x38;
	[tilespmem:$0x6900] =	vst v63  }
0x1d: {  	s21 =	sadd.s32 $0x10, s21;
	s19 =	sadd.s32 $0x80, s19  }
0x1e: {  	_ =	swait.ge [sflag:s13], $0x80  }
0x1f: {  	s19 =	simm.s32 $0x31;
	[sflag:s13] =	ssyncset.done $0x0  }
.LBB2_4:
0x20: {  	p0 =	sne.s32 s19, $0x1;
	s19 =	sadd.s32 $0xFFFFFFFF, s19;
	[sflag:s13] =	ssyncadd.s32 $0xFFFFFF80  }
.Ltmp1:
0x21: {  	(pc) =	sbr.rel @p0 .LBB2_4-.Ltmp1, $3  }
0x22: {  	_ =	sdelay $0x1  }
0x23: {  	_ =	swait.ge [sflag:s13], $0x80  }
0x24: {  	[sflag:s13] =	ssyncset.done $0x0  }
0x25: {  	[sflag:s13] =	ssyncadd.s32 $0xFFFFFF80;
	s4 =	simm.s32 $0x0  }
0x26: {  	[tilespmem:s15], [sflag:$0x2] =	stream.indirect.gather [hbm4b:s3+s14], $0x20, s4, s14, $0xb8;
	[tilespmem:$0x6900] =	vst v63  }
0x27: {  	_ = 	snop  }
0x28: {  	[tilespmem:s16], [sflag:$0x3] =	stream.indirect.gather [hbm4b:s3+s14], $0x20, s14, s14, $0xb8;
	[tilespmem:$0x6900] =	vst v63  }
0x29: {  	s21 =	simm.s32 $0x100  }
0x2a: {  	[tilespmem:s18], [sflag:$0x4] =	stream.indirect.gather [hbm4b:s3+s14], $0x20, s21, s14, $0xb8;
	[tilespmem:$0x6900] =	vst v63  }
0x2b: {  	s19 =	simm.s32 $0x180  }
0x2c: {  	[tilespmem:s20], [sflag:$0x5] =	stream.indirect.gather [hbm4b:s3+s14], $0x20, s19, s14, $0xb8;
	[tilespmem:$0x6900] =	vst v63  }
0x2d: {  	s21 =	simm.s32 $0x200  }
0x2e: {  	[tilespmem:s22], [sflag:$0x6] =	stream.indirect.gather [hbm4b:s3+s14], $0x20, s21, s14, $0xb8;
	[tilespmem:$0x6900] =	vst v63  }
0x2f: {  	_ =	swait.ge [sflag:s23], $0x1000  }
0x30: {  	[sflag:s23] =	ssyncset.done $0x0  }
0x31: {  	s19 =	sadd.s32 $0x0, s12;
	[sflag:s23] =	ssyncadd.s32 $0xFFFFF000  }
0x32: {  	[hbm4b:s19+s2] =	stream.linear.scatter [tilespmem:s15], [sflag:$0x7], $0x1000, $0x38;
	[tilespmem:$0x6900] =	vst v63  }
0x33: {  	_ =	swait.ge [sflag:s24], $0x1000  }
0x34: {  	[sflag:s24] =	ssyncset.done $0x0  }
0x35: {  	s21 =	sadd.s32 $0x0, s11;
	[sflag:s24] =	ssyncadd.s32 $0xFFFFF000  }
0x36: {  	[hbm4b:s21+s2] =	stream.linear.scatter [tilespmem:s16], [sflag:$0x8], $0x1000, $0x38;
	[tilespmem:$0x6900] =	vst v63  }
0x37: {  	_ =	swait.ge [sflag:s25], $0x1000  }
0x38: {  	s19 =	rddreg [dreg:$0x4];
	[sflag:s25] =	ssyncset.done $0x0  }
0x39: {  	[sflag:s25] =	ssyncadd.s32 $0xFFFFF000;
	s4 =	sadd.s32 $0x0, s19  }
0x3a: {  	[hbm4b:s4+s2] =	stream.linear.scatter [tilespmem:s18], [sflag:$0x9], $0x1000, $0x38;
	[tilespmem:$0x6900] =	vst v63  }
0x3b: {  	_ =	swait.ge [sflag:s26], $0x1000  }
0x3c: {  	[sflag:s26] =	ssyncset.done $0x0  }
0x3d: {  	s4 =	sadd.s32 $0x200, s4;
	[sflag:s26] =	ssyncadd.s32 $0xFFFFF000  }
0x3e: {  	[hbm4b:s4+s2] =	stream.linear.scatter [tilespmem:s20], [sflag:$0xA], $0x1000, $0x38;
	[tilespmem:$0x6900] =	vst v63  }
0x3f: {  	_ =	swait.ge [sflag:s28], $0x1000  }
0x40: {  	s21 =	rddreg [dreg:$0x3];
	[sflag:s28] =	ssyncset.done $0x0  }
0x41: {  	[sflag:s28] =	ssyncadd.s32 $0xFFFFF000;
	s4 =	sadd.s32 $0x0, s21  }
0x42: {  	[hbm4b:s4+s2] =	stream.linear.scatter [tilespmem:s22], [sflag:$0xB], $0x1000, $0x38;
	[tilespmem:$0x6900] =	vst v63  }
0x43: {  	_ =	swait.ge [sflag:s29], $0x1000  }
0x44: {  	[sflag:s29] =	ssyncset.done $0x0  }
0x45: {  	s19 =	simm.s32 $0x280;
	[sflag:s29] =	ssyncadd.s32 $0xFFFFF000  }
0x46: {  	[tilespmem:s15], [sflag:$0x2] =	stream.indirect.gather [hbm4b:s3+s14], $0x20, s19, s14, $0xb8;
	[tilespmem:$0x6900] =	vst v63  }
0x47: {  	_ =	swait.ge [sflag:s30], $0x1000  }
0x48: {  	[sflag:s30] =	ssyncset.done $0x0  }
0x49: {  	s21 =	simm.s32 $0x300;
	[sflag:s30] =	ssyncadd.s32 $0xFFFFF000  }
0x4a: {  	[tilespmem:s16], [sflag:$0x3] =	stream.indirect.gather [hbm4b:s3+s14], $0x20, s21, s14, $0xb8;
	[tilespmem:$0x6900] =	vst v63  }
0x4b: {  	_ =	swait.ge [sflag:s31], $0x1000  }
0x4c: {  	[sflag:s31] =	ssyncset.done $0x0  }
0x4d: {  	s19 =	simm.s32 $0x380;
	[sflag:s31] =	ssyncadd.s32 $0xFFFFF000  }
0x4e: {  	[tilespmem:s18], [sflag:$0x4] =	stream.indirect.gather [hbm4b:s3+s14], $0x20, s19, s14, $0xb8;
	[tilespmem:$0x6900] =	vst v63  }
0x4f: {  	_ =	swait.ge [sflag:s0], $0x1000  }
0x50: {  	[sflag:s0] =	ssyncset.done $0x0  }
0x51: {  	s21 =	simm.s32 $0x400;
	[sflag:s0] =	ssyncadd.s32 $0xFFFFF000  }
0x52: {  	[tilespmem:s20], [sflag:$0x5] =	stream.indirect.gather [hbm4b:s3+s14], $0x20, s21, s14, $0xb8;
	[tilespmem:$0x6900] =	vst v63  }
0x53: {  	_ =	swait.ge [sflag:s1], $0x1000  }
0x54: {  	[sflag:s1] =	ssyncset.done $0x0  }
0x55: {  	s19 =	simm.s32 $0xA00;
	s21 =	simm.s32 $0x480;
	[sflag:s1] =	ssyncadd.s32 $0xFFFFF000  }
.LBB2_6:
0x56: {  	[tilespmem:s22], [sflag:$0x6] =	stream.indirect.gather [hbm4b:s3+s14], $0x20, s21, s14, $0xb8;
	[tilespmem:$0x6900] =	vst v63  }
0x57: {  	_ =	swait.ge [sflag:s23], $0x1000  }
0x58: {  	s4 =	smov.u32 s19;
	[sflag:s23] =	ssyncset.done $0x0  }
0x59: {  	s21 =	sadd.s32 s4, s12;
	[sflag:s23] =	ssyncadd.s32 $0xFFFFF000  }
0x5a: {  	[hbm4b:s21+s2] =	stream.linear.scatter [tilespmem:s15], [sflag:$0x7], $0x1000, $0x38;
	[tilespmem:$0x6900] =	vst v63  }
0x5b: {  	_ =	swait.ge [sflag:s24], $0x1000  }
0x5c: {  	[sflag:s24] =	ssyncset.done $0x0  }
0x5d: {  	s21 =	sadd.s32 s4, s11;
	[sflag:s24] =	ssyncadd.s32 $0xFFFFF000  }
0x5e: {  	[hbm4b:s21+s2] =	stream.linear.scatter [tilespmem:s16], [sflag:$0x8], $0x1000, $0x38;
	[tilespmem:$0x6900] =	vst v63  }
0x5f: {  	_ =	swait.ge [sflag:s25], $0x1000  }
0x60: {  	s21 =	rddreg [dreg:$0x4];
	[sflag:s25] =	ssyncset.done $0x0  }
0x61: {  	[sflag:s25] =	ssyncadd.s32 $0xFFFFF000;
	s21 =	sadd.s32 s4, s21  }
0x62: {  	[hbm4b:s21+s2] =	stream.linear.scatter [tilespmem:s18], [sflag:$0x9], $0x1000, $0x38;
	[tilespmem:$0x6900] =	vst v63  }
0x63: {  	_ =	swait.ge [sflag:s26], $0x1000  }
0x64: {  	[sflag:s26] =	ssyncset.done $0x0  }
0x65: {  	s21 =	sadd.s32 $0x200, s21;
	[sflag:s26] =	ssyncadd.s32 $0xFFFFF000  }
0x66: {  	[hbm4b:s21+s2] =	stream.linear.scatter [tilespmem:s20], [sflag:$0xA], $0x1000, $0x38;
	[tilespmem:$0x6900] =	vst v63  }
0x67: {  	_ =	swait.ge [sflag:s28], $0x1000  }
0x68: {  	s21 =	rddreg [dreg:$0x3];
	[sflag:s28] =	ssyncset.done $0x0  }
0x69: {  	[sflag:s28] =	ssyncadd.s32 $0xFFFFF000;
	s21 =	sadd.s32 s4, s21  }
0x6a: {  	[hbm4b:s21+s2] =	stream.linear.scatter [tilespmem:s22], [sflag:$0xB], $0x1000, $0x38;
	[tilespmem:$0x6900] =	vst v63  }
0x6b: {  	_ =	swait.ge [sflag:s29], $0x1000  }
0x6c: {  	s4 =	sshra.s32 s4, $0x2;
	[sflag:s29] =	ssyncset.done $0x0  }
0x6d: {  	s21 =	sadd.s32 $0x280, s4;
	[sflag:s29] =	ssyncadd.s32 $0xFFFFF000  }
0x6e: {  	[tilespmem:s15], [sflag:$0x2] =	stream.indirect.gather [hbm4b:s3+s14], $0x20, s21, s14, $0xb8;
	[tilespmem:$0x6900] =	vst v63  }
0x6f: {  	_ =	swait.ge [sflag:s30], $0x1000  }
0x70: {  	[sflag:s30] =	ssyncset.done $0x0  }
0x71: {  	s21 =	sadd.s32 $0x300, s4;
	[sflag:s30] =	ssyncadd.s32 $0xFFFFF000  }
0x72: {  	[tilespmem:s16], [sflag:$0x3] =	stream.indirect.gather [hbm4b:s3+s14], $0x20, s21, s14, $0xb8;
	[tilespmem:$0x6900] =	vst v63  }
0x73: {  	_ =	swait.ge [sflag:s31], $0x1000  }
0x74: {  	[sflag:s31] =	ssyncset.done $0x0  }
0x75: {  	s21 =	sadd.s32 $0x380, s4;
	[sflag:s31] =	ssyncadd.s32 $0xFFFFF000  }
0x76: {  	[tilespmem:s18], [sflag:$0x4] =	stream.indirect.gather [hbm4b:s3+s14], $0x20, s21, s14, $0xb8;
	[tilespmem:$0x6900] =	vst v63  }
0x77: {  	_ =	swait.ge [sflag:s0], $0x1000  }
0x78: {  	p0 =	sne.s32 s19, $0x5000;
	[sflag:s0] =	ssyncset.done $0x0  }
.Ltmp2:
0x79: {  	s21 =	sadd.s32 $0x400, s4;
	[sflag:s0] =	ssyncadd.s32 $0xFFFFF000;
	(pc) =	sbr.rel @p0 .LBB2_6-.Ltmp2, $4  }
0x7a: {  	[tilespmem:s20], [sflag:$0x5] =	stream.indirect.gather [hbm4b:s3+s14], $0x20, s21, s14, $0xb8;
	[tilespmem:$0x6900] =	vst v63  }
0x7b: {  	_ =	swait.ge [sflag:s1], $0x1000  }
0x7c: {  	[sflag:s1] =	ssyncset.done $0x0  }
0x7d: {  	s19 =	sadd.s32 $0xA00, s19;
	s21 =	sadd.s32 $0x480, s4;
	[sflag:s1] =	ssyncadd.s32 $0xFFFFF000  }
0x7e: {  	[tilespmem:s22], [sflag:$0x6] =	stream.indirect.gather [hbm4b:s3+s14], $0x20, s21, s14, $0xb8;
	[tilespmem:$0x6900] =	vst v63  }
0x7f: {  	_ =	swait.ge [sflag:s23], $0x1000  }
0x80: {  	[sflag:s23] =	ssyncset.done $0x0  }
0x81: {  	s4 =	rddreg [dreg:$0x5];
	[sflag:s23] =	ssyncadd.s32 $0xFFFFF000  }
0x82: {  	[hbm4b:s4+s2] =	stream.linear.scatter [tilespmem:s15], [sflag:$0x7], $0x1000, $0x38;
	[tilespmem:$0x6900] =	vst v63  }
0x83: {  	_ =	swait.ge [sflag:s24], $0x1000  }
0x84: {  	[sflag:s24] =	ssyncset.done $0x0  }
0x85: {  	[sflag:s24] =	ssyncadd.s32 $0xFFFFF000  }
0x86: {  	[hbm4b:s5+s2] =	stream.linear.scatter [tilespmem:s16], [sflag:$0x8], $0x1000, $0x38;
	[tilespmem:$0x6900] =	vst v63  }
0x87: {  	_ =	swait.ge [sflag:s25], $0x1000  }
0x88: {  	[sflag:s25] =	ssyncset.done $0x0  }
0x89: {  	[sflag:s25] =	ssyncadd.s32 $0xFFFFF000  }
0x8a: {  	[hbm4b:s6+s2] =	stream.linear.scatter [tilespmem:s18], [sflag:$0x9], $0x1000, $0x38;
	[tilespmem:$0x6900] =	vst v63  }
0x8b: {  	_ =	swait.ge [sflag:s26], $0x1000  }
0x8c: {  	[sflag:s26] =	ssyncset.done $0x0  }
0x8d: {  	[sflag:s26] =	ssyncadd.s32 $0xFFFFF000  }
0x8e: {  	[hbm4b:s7+s2] =	stream.linear.scatter [tilespmem:s20], [sflag:$0xA], $0x1000, $0x38;
	[tilespmem:$0x6900] =	vst v63  }
0x8f: {  	_ =	swait.ge [sflag:s28], $0x1000  }
0x90: {  	[sflag:s28] =	ssyncset.done $0x0  }
0x91: {  	[sflag:s28] =	ssyncadd.s32 $0xFFFFF000  }
0x92: {  	[hbm4b:s8+s2] =	stream.linear.scatter [tilespmem:s22], [sflag:$0xB], $0x1000, $0x38;
	[tilespmem:$0x6900] =	vst v63  }
0x93: {  	_ =	swait.ge [sflag:s29], $0x1000  }
0x94: {  	[sflag:s29] =	ssyncset.done $0x0  }
0x95: {  	[sflag:s29] =	ssyncadd.s32 $0xFFFFF000  }
0x96: {  	_ =	swait.ge [sflag:s30], $0x1000  }
0x97: {  	[sflag:s30] =	ssyncset.done $0x0  }
0x98: {  	[sflag:s30] =	ssyncadd.s32 $0xFFFFF000  }
0x99: {  	_ =	swait.ge [sflag:s31], $0x1000  }
0x9a: {  	[sflag:s31] =	ssyncset.done $0x0  }
0x9b: {  	s17 =	sadd.s32 $0x1, s17;
	[sflag:s31] =	ssyncadd.s32 $0xFFFFF000  }
0x9c: {  	p0 =	sne.s32 s17, s9;
	_ =	swait.ge [sflag:s0], $0x1000  }
.Ltmp3:
0x9d: {  	[sflag:s0] =	ssyncset.done $0x0;
	(pc) =	sbr.rel @p0 .LBB2_1-.Ltmp3, $4  }
0x9e: {  	[sflag:s0] =	ssyncadd.s32 $0xFFFFF000  }
0x9f: {  	_ =	swait.ge [sflag:s1], $0x1000  }
0xa0: {  	[sflag:s1] =	ssyncset.done $0x0  }
0xa1: {  	[sflag:s1] =	ssyncadd.s32 $0xFFFFF000  }
0xa2: {  	_ =	sfence.sel $0x180000  }
0xa3: {  	[bflag:$0x0] =	sbarrier.arrive $0xFFFF  }
0xa4: {  	_ =	strace $0x90000047  }
0xa5: {  	s0 =	stileid.u32;
	[bflag:$0x2] =	sbarrier.arrive $0xFFFF  }
0xa6: {  	p0 =	sne.s32 s0, $0x0;
	s0 =	rddreg [dreg:$0x2]  }
0xa7: {  	s0 =	sadd.s32 @!p0 $0x100000, s0  }
0xa8: {  	[sflag:s0] =	ssyncadd.tile.s32 @!p0 $0x1;
	_ =	shalt  }
.Lfunc_end2:
_tile_overlayer_lowered:
.L_overlay_start_2:
0xa9: {  	(tag) =	ssettag $0x2  }
0xaa: {  	s0 =	rddreg [dreg:$0x0];
	s2 =	stileid.u32  }
0xab: {  	s1 =	rddreg [dreg:$0x1];
	p0 =	sne.s32 s2, $0x0  }
0xac: {  	s3 =	rddreg [dreg:$0x2];
	[bflag:$0x3] =	sbarrier.arrive $0xFFFF;
	s2 =	simm.s32 @!p0 $0x1C0C  }
0xad: {  	[timem:s3], [sflag:s2] =	dma.local @!p0 [hbm:s0], s1  }
0xae: {  	s0 =	simm.s32 @!p0 $0xC  }
0xaf: {  	_ =	swait.ge @!p0 [sflag:s0], s1  }
0xb0: {  	s1 =	ssub.s32 @!p0 $0x0, s1;
	[sflag:s0] =	ssyncset.done @!p0 $0x0  }
0xb1: {  	[sflag:s0] =	ssyncadd.s32 @!p0 s1  }
0xb2: {  	[bflag:$0x3] =	sbarrier.arrive $0xFFFF  }
0xb3: {  	_ =	shalt  }

</sc_bundles>
